<compile_context>
chip_gen: v7x
topology: tpu7x:2x2x1
jax: 0.10.2.dev20260603
libtpu: 0.0.44.dev20260713+nightly
codegen_flags: <defaults>
</compile_context>

<pallas_src>
import functools

import jax
import jax.numpy as jnp
from jax import lax
from jax.experimental import pallas as pl
from jax.experimental.pallas import tpu as pltpu
from jax.experimental.pallas import tpu_sc as plsc

NC = 2
NS = 16
NW = NC * NS
NB = 8


@functools.lru_cache(maxsize=None)
def _build(bsz, hist, d):
    assert bsz % (NW * NB) == 0
    rows_per_w = bsz // NW
    n_groups = rows_per_w // NB
    mesh = plsc.VectorSubcoreMesh(core_axis_name="c", subcore_axis_name="s")

    @functools.partial(
        pl.kernel,
        mesh=mesh,
        compiler_params=pltpu.CompilerParams(
            needs_layout_passes=False, use_tc_tiling_on_sc=False
        ),
        out_type=jax.ShapeDtypeStruct((bsz, hist, d), jnp.float32),
        scratch_types=[
            pltpu.VMEM((rows_per_w, hist), jnp.int32),
            *[pltpu.VMEM((hist, d), jnp.float32) for _ in range(NB)],
            *[pltpu.SemaphoreType.DMA for _ in range(2 * NB)],
        ],
    )
    def body(idx_hbm, table_hbm, out_hbm, idx_v, *bufs_and_sems):
        bufs = bufs_and_sems[:NB]
        gsems = bufs_and_sems[NB:2 * NB]
        ssems = bufs_and_sems[2 * NB:]
        wid = lax.axis_index("s") * NC + lax.axis_index("c")
        b0 = wid * rows_per_w
        pltpu.sync_copy(idx_hbm.at[pl.ds(b0, rows_per_w)], idx_v)

        def group(i, carry):
            for p in range(NB):
                b = i * NB + p

                @pl.when(i > 0)
                def _drain():
                    pltpu.make_async_copy(
                        bufs[p], out_hbm.at[b0 + b - NB], ssems[p]
                    ).wait()

                pltpu.async_copy(
                    table_hbm.at[idx_v.at[b]], bufs[p], gsems[p]
                )
            for p in range(NB):
                b = i * NB + p
                pltpu.make_async_copy(
                    table_hbm.at[idx_v.at[b]], bufs[p], gsems[p]
                ).wait()
                pltpu.async_copy(bufs[p], out_hbm.at[b0 + b], ssems[p])
            return carry

        lax.fori_loop(0, n_groups, group, 0)
        for p in range(NB):
            b = (n_groups - 1) * NB + p
            pltpu.make_async_copy(
                bufs[p], out_hbm.at[b0 + b], ssems[p]
            ).wait()

    return body


def kernel(token_ids, emb):
    bsz, hist = token_ids.shape
    d = emb.shape[1]
    return _build(bsz, hist, d)(token_ids.astype(jnp.int32), emb)

# --- scband reference (transcript-rebuilt; emitter-appended) ---
"""Pipeline reference for scband-embedding-15290083573793 (READ-ONLY COPY).

The authoritative reference and input builder live on the scoring server;
editing this copy changes nothing except your own understanding.
"""

import jax, jax.numpy as jnp
import numpy as np

NUM_EMBEDDINGS = 1000000
EMBEDDING_DIM = 32
BATCH = 16384
HIST = 50

def setup_inputs(seed: int = 0) -> dict:
    key = jax.random.key(seed)
    k_idx, k_emb = jax.random.split(key)
    token_ids = jax.random.randint(k_idx, (BATCH, HIST), 0, NUM_EMBEDDINGS, dtype=jnp.int64 if jax.config.jax_enable_x64 else jnp.int32)
    # trunc_normal_(mean=0, std=1, a=-3, b=-3..3)
    emb = jax.random.truncated_normal(k_emb, -3.0, 3.0, (NUM_EMBEDDINGS, EMBEDDING_DIM), dtype=jnp.float32)
    return {"token_ids": token_ids, "emb": emb}

def reference(token_ids, emb):
    # Faithful translation of: return self.emb[token_ids]
    return jnp.take(emb, token_ids, axis=0)

if __name__ == "__main__":
    import jax
    _d = setup_inputs()
    print(jax.jit(kernel)(*tuple(_d.values())))

</pallas_src>

<mosaic_0001>
#map = affine_map<(d0, d1) -> (0, 0)>
#map1 = affine_map<(d0, d1) -> (0, 0, 0)>
module attributes {stable_mosaic.version = 14 : i64} {
  func.func @body(%arg0: i32, %arg1: i32, %arg2: memref<16384x50xi32, #tpu.memory_space<hbm>>, %arg3: memref<1000000x32xf32, #tpu.memory_space<hbm>>, %arg4: memref<16384x50x32xf32, #tpu.memory_space<hbm>>, %arg5: memref<512x50xi32, #tpu.memory_space<vmem>>, %arg6: memref<50x32xf32, #tpu.memory_space<vmem>>, %arg7: memref<50x32xf32, #tpu.memory_space<vmem>>, %arg8: memref<50x32xf32, #tpu.memory_space<vmem>>, %arg9: memref<50x32xf32, #tpu.memory_space<vmem>>, %arg10: memref<50x32xf32, #tpu.memory_space<vmem>>, %arg11: memref<50x32xf32, #tpu.memory_space<vmem>>, %arg12: memref<50x32xf32, #tpu.memory_space<vmem>>, %arg13: memref<50x32xf32, #tpu.memory_space<vmem>>, %arg14: memref<!tpu.dma_semaphore, #tpu.memory_space<semaphore_mem>>, %arg15: memref<!tpu.dma_semaphore, #tpu.memory_space<semaphore_mem>>, %arg16: memref<!tpu.dma_semaphore, #tpu.memory_space<semaphore_mem>>, %arg17: memref<!tpu.dma_semaphore, #tpu.memory_space<semaphore_mem>>, %arg18: memref<!tpu.dma_semaphore, #tpu.memory_space<semaphore_mem>>, %arg19: memref<!tpu.dma_semaphore, #tpu.memory_space<semaphore_mem>>, %arg20: memref<!tpu.dma_semaphore, #tpu.memory_space<semaphore_mem>>, %arg21: memref<!tpu.dma_semaphore, #tpu.memory_space<semaphore_mem>>, %arg22: memref<!tpu.dma_semaphore, #tpu.memory_space<semaphore_mem>>, %arg23: memref<!tpu.dma_semaphore, #tpu.memory_space<semaphore_mem>>, %arg24: memref<!tpu.dma_semaphore, #tpu.memory_space<semaphore_mem>>, %arg25: memref<!tpu.dma_semaphore, #tpu.memory_space<semaphore_mem>>, %arg26: memref<!tpu.dma_semaphore, #tpu.memory_space<semaphore_mem>>, %arg27: memref<!tpu.dma_semaphore, #tpu.memory_space<semaphore_mem>>, %arg28: memref<!tpu.dma_semaphore, #tpu.memory_space<semaphore_mem>>, %arg29: memref<!tpu.dma_semaphore, #tpu.memory_space<semaphore_mem>>) attributes {dimension_semantics = [#tpu.dimension_semantics<core_parallel>, #tpu.dimension_semantics<subcore_parallel>], iteration_bounds = array<i64: 2, 16>, scalar_prefetch = 0 : i64, scratch_operands = 25 : i64, tpu.core_type = #tpu.core_type<sc_vector_subcore>, window_params = [{transform_indices = #map}, {transform_indices = #map}, {transform_indices = #map1}]} {
    %mul3A = arith.constant 2 : i32
    %mul3A_0 = arith.muli %arg1, %mul3A : i32
    %add3A = arith.addi %mul3A_0, %arg0 : i32
    %mul3A_1 = arith.constant 512 : i32
    %mul3A_2 = arith.muli %add3A, %mul3A_1 : i32
    "tpu.region"() ({
      %run_scoped3A = tpu.sem_alloc : memref<!tpu.dma_semaphore, #tpu.memory_space<semaphore_mem>>
      %dma_start3A = arith.constant 0 : i32
      %dma_start3A_87 = tpu.memref_slice %arg2[%mul3A_2, %dma_start3A] : memref<16384x50xi32, #tpu.memory_space<hbm>> -> memref<512x50xi32, #tpu.memory_space<hbm>>
      %dma_start3A_88 = arith.constant 0 : i32
      %dma_start3A_89 = tpu.memref_slice %arg2[%mul3A_2, %dma_start3A_88] : memref<16384x50xi32, #tpu.memory_space<hbm>> -> memref<512x50xi32, #tpu.memory_space<hbm>>
      tpu.enqueue_dma source(%dma_start3A_89 : memref<512x50xi32, #tpu.memory_space<hbm>>) target(%arg5 : memref<512x50xi32, #tpu.memory_space<vmem>>) target_semaphore(%run_scoped3A : memref<!tpu.dma_semaphore, #tpu.memory_space<semaphore_mem>>)
      %dma_wait3A_90 = arith.constant 0 : i32
      %dma_wait3A_91 = tpu.memref_slice %arg2[%mul3A_2, %dma_wait3A_90] : memref<16384x50xi32, #tpu.memory_space<hbm>> -> memref<512x50xi32, #tpu.memory_space<hbm>>
      %dma_wait3A_92 = arith.constant 0 : i32
      %dma_wait3A_93 = tpu.memref_slice %arg2[%mul3A_2, %dma_wait3A_92] : memref<16384x50xi32, #tpu.memory_space<hbm>> -> memref<512x50xi32, #tpu.memory_space<hbm>>
      tpu.wait_dma2 semaphore(%run_scoped3A : memref<!tpu.dma_semaphore, #tpu.memory_space<semaphore_mem>>) src(%dma_wait3A_93 : memref<512x50xi32, #tpu.memory_space<hbm>>) dst(%arg5 : memref<512x50xi32, #tpu.memory_space<vmem>>)
      tpu.yield
    }) : () -> ()
    %scan3A = arith.constant 0 : i32
    %scan3A_3 = arith.constant 0 : i32
    %scan3A_4 = arith.constant 64 : i32
    %scan3A_5 = arith.addi %scan3A_3, %scan3A_4 : i32
    %scan3A_6 = arith.constant 1 : i32
    scf.for %scan3A_87 = %scan3A_3 to %scan3A_5 step %scan3A_6  : i32 {
      %mul3A_88 = arith.constant 8 : i32
      %mul3A_89 = arith.muli %scan3A_87, %mul3A_88 : i32
      %add3A_90 = arith.constant 0 : i32
      %add3A_91 = arith.addi %mul3A_89, %add3A_90 : i32
      %gt3A = arith.constant 0 : i32
      %gt3A_92 = arith.cmpi sgt, %scan3A_87, %gt3A : i32
      %convert_element_type3A = arith.extui %gt3A_92 : i1 to i32
      %cond3A = arith.constant 0 : i32
      %cond3A_93 = arith.cmpi ne, %convert_element_type3A, %cond3A : i32
      scf.if %cond3A_93 {
        %add3A_356 = arith.addi %mul3A_2, %add3A_91 : i32
        %sub3A = arith.constant 8 : i32
        %sub3A_357 = arith.subi %add3A_356, %sub3A : i32
        %dma_wait3A_358 = arith.constant 0 : i32
        %dma_wait3A_359 = arith.constant 0 : i32
        %dma_wait3A_360 = tpu.memref_slice %arg4[%sub3A_357, %dma_wait3A_358, %dma_wait3A_359] : memref<16384x50x32xf32, #tpu.memory_space<hbm>> -> memref<1x50x32xf32, #tpu.memory_space<hbm>>
        %dma_wait3A_361 = tpu.memref_squeeze %dma_wait3A_360 : memref<1x50x32xf32, #tpu.memory_space<hbm>> -> memref<50x32xf32, #tpu.memory_space<hbm>>
        %dma_wait3A_362 = arith.constant 0 : i32
        %dma_wait3A_363 = arith.constant 0 : i32
        %dma_wait3A_364 = tpu.memref_slice %arg4[%sub3A_357, %dma_wait3A_362, %dma_wait3A_363] : memref<16384x50x32xf32, #tpu.memory_space<hbm>> -> memref<1x50x32xf32, #tpu.memory_space<hbm>>
        %dma_wait3A_365 = tpu.memref_squeeze %dma_wait3A_364 : memref<1x50x32xf32, #tpu.memory_space<hbm>> -> memref<50x32xf32, #tpu.memory_space<hbm>>
        tpu.wait_dma2 semaphore(%arg22 : memref<!tpu.dma_semaphore, #tpu.memory_space<semaphore_mem>>) src(%arg6 : memref<50x32xf32, #tpu.memory_space<vmem>>) dst(%dma_wait3A_365 : memref<50x32xf32, #tpu.memory_space<hbm>>)
      } else {
      }
      %dma_start3A = arith.constant 0 : i32
      %dma_start3A_94 = tpu.memref_slice %arg5[%add3A_91, %dma_start3A] : memref<512x50xi32, #tpu.memory_space<vmem>> -> memref<1x50xi32, #tpu.memory_space<vmem>>
      %dma_start3A_95 = tpu.memref_squeeze %dma_start3A_94 : memref<1x50xi32, #tpu.memory_space<vmem>> -> memref<50xi32, #tpu.memory_space<vmem>>
      %dma_start3A_96 = arith.constant 0 : i32
      %dma_start3A_97 = arith.constant 0 : i32
      %dma_start3A_98 = tpu.memref_slice %arg3[%dma_start3A_96, %dma_start3A_97] : memref<1000000x32xf32, #tpu.memory_space<hbm>> -> memref<1000000x32xf32, #tpu.memory_space<hbm>>
      tpu.enqueue_indirect_dma source(%dma_start3A_98 : memref<1000000x32xf32, #tpu.memory_space<hbm>>) target(%arg6 : memref<50x32xf32, #tpu.memory_space<vmem>>) offsets(%dma_start3A_95 : memref<50xi32, #tpu.memory_space<vmem>>) semaphore(%arg14 : memref<!tpu.dma_semaphore, #tpu.memory_space<semaphore_mem>>)
      %mul3A_99 = arith.constant 8 : i32
      %mul3A_100 = arith.muli %scan3A_87, %mul3A_99 : i32
      %add3A_101 = arith.constant 1 : i32
      %add3A_102 = arith.addi %mul3A_100, %add3A_101 : i32
      %gt3A_103 = arith.constant 0 : i32
      %gt3A_104 = arith.cmpi sgt, %scan3A_87, %gt3A_103 : i32
      %convert_element_type3A_105 = arith.extui %gt3A_104 : i1 to i32
      %cond3A_106 = arith.constant 0 : i32
      %cond3A_107 = arith.cmpi ne, %convert_element_type3A_105, %cond3A_106 : i32
      scf.if %cond3A_107 {
        %add3A_356 = arith.addi %mul3A_2, %add3A_102 : i32
        %sub3A = arith.constant 8 : i32
        %sub3A_357 = arith.subi %add3A_356, %sub3A : i32
        %dma_wait3A_358 = arith.constant 0 : i32
        %dma_wait3A_359 = arith.constant 0 : i32
        %dma_wait3A_360 = tpu.memref_slice %arg4[%sub3A_357, %dma_wait3A_358, %dma_wait3A_359] : memref<16384x50x32xf32, #tpu.memory_space<hbm>> -> memref<1x50x32xf32, #tpu.memory_space<hbm>>
        %dma_wait3A_361 = tpu.memref_squeeze %dma_wait3A_360 : memref<1x50x32xf32, #tpu.memory_space<hbm>> -> memref<50x32xf32, #tpu.memory_space<hbm>>
        %dma_wait3A_362 = arith.constant 0 : i32
        %dma_wait3A_363 = arith.constant 0 : i32
        %dma_wait3A_364 = tpu.memref_slice %arg4[%sub3A_357, %dma_wait3A_362, %dma_wait3A_363] : memref<16384x50x32xf32, #tpu.memory_space<hbm>> -> memref<1x50x32xf32, #tpu.memory_space<hbm>>
        %dma_wait3A_365 = tpu.memref_squeeze %dma_wait3A_364 : memref<1x50x32xf32, #tpu.memory_space<hbm>> -> memref<50x32xf32, #tpu.memory_space<hbm>>
        tpu.wait_dma2 semaphore(%arg23 : memref<!tpu.dma_semaphore, #tpu.memory_space<semaphore_mem>>) src(%arg7 : memref<50x32xf32, #tpu.memory_space<vmem>>) dst(%dma_wait3A_365 : memref<50x32xf32, #tpu.memory_space<hbm>>)
      } else {
      }
      %dma_start3A_108 = arith.constant 0 : i32
      %dma_start3A_109 = tpu.memref_slice %arg5[%add3A_102, %dma_start3A_108] : memref<512x50xi32, #tpu.memory_space<vmem>> -> memref<1x50xi32, #tpu.memory_space<vmem>>
      %dma_start3A_110 = tpu.memref_squeeze %dma_start3A_109 : memref<1x50xi32, #tpu.memory_space<vmem>> -> memref<50xi32, #tpu.memory_space<vmem>>
      %dma_start3A_111 = arith.constant 0 : i32
      %dma_start3A_112 = arith.constant 0 : i32
      %dma_start3A_113 = tpu.memref_slice %arg3[%dma_start3A_111, %dma_start3A_112] : memref<1000000x32xf32, #tpu.memory_space<hbm>> -> memref<1000000x32xf32, #tpu.memory_space<hbm>>
      tpu.enqueue_indirect_dma source(%dma_start3A_113 : memref<1000000x32xf32, #tpu.memory_space<hbm>>) target(%arg7 : memref<50x32xf32, #tpu.memory_space<vmem>>) offsets(%dma_start3A_110 : memref<50xi32, #tpu.memory_space<vmem>>) semaphore(%arg15 : memref<!tpu.dma_semaphore, #tpu.memory_space<semaphore_mem>>)
      %mul3A_114 = arith.constant 8 : i32
      %mul3A_115 = arith.muli %scan3A_87, %mul3A_114 : i32
      %add3A_116 = arith.constant 2 : i32
      %add3A_117 = arith.addi %mul3A_115, %add3A_116 : i32
      %gt3A_118 = arith.constant 0 : i32
      %gt3A_119 = arith.cmpi sgt, %scan3A_87, %gt3A_118 : i32
      %convert_element_type3A_120 = arith.extui %gt3A_119 : i1 to i32
      %cond3A_121 = arith.constant 0 : i32
      %cond3A_122 = arith.cmpi ne, %convert_element_type3A_120, %cond3A_121 : i32
      scf.if %cond3A_122 {
        %add3A_356 = arith.addi %mul3A_2, %add3A_117 : i32
        %sub3A = arith.constant 8 : i32
        %sub3A_357 = arith.subi %add3A_356, %sub3A : i32
        %dma_wait3A_358 = arith.constant 0 : i32
        %dma_wait3A_359 = arith.constant 0 : i32
        %dma_wait3A_360 = tpu.memref_slice %arg4[%sub3A_357, %dma_wait3A_358, %dma_wait3A_359] : memref<16384x50x32xf32, #tpu.memory_space<hbm>> -> memref<1x50x32xf32, #tpu.memory_space<hbm>>
        %dma_wait3A_361 = tpu.memref_squeeze %dma_wait3A_360 : memref<1x50x32xf32, #tpu.memory_space<hbm>> -> memref<50x32xf32, #tpu.memory_space<hbm>>
        %dma_wait3A_362 = arith.constant 0 : i32
        %dma_wait3A_363 = arith.constant 0 : i32
        %dma_wait3A_364 = tpu.memref_slice %arg4[%sub3A_357, %dma_wait3A_362, %dma_wait3A_363] : memref<16384x50x32xf32, #tpu.memory_space<hbm>> -> memref<1x50x32xf32, #tpu.memory_space<hbm>>
        %dma_wait3A_365 = tpu.memref_squeeze %dma_wait3A_364 : memref<1x50x32xf32, #tpu.memory_space<hbm>> -> memref<50x32xf32, #tpu.memory_space<hbm>>
        tpu.wait_dma2 semaphore(%arg24 : memref<!tpu.dma_semaphore, #tpu.memory_space<semaphore_mem>>) src(%arg8 : memref<50x32xf32, #tpu.memory_space<vmem>>) dst(%dma_wait3A_365 : memref<50x32xf32, #tpu.memory_space<hbm>>)
      } else {
      }
      %dma_start3A_123 = arith.constant 0 : i32
      %dma_start3A_124 = tpu.memref_slice %arg5[%add3A_117, %dma_start3A_123] : memref<512x50xi32, #tpu.memory_space<vmem>> -> memref<1x50xi32, #tpu.memory_space<vmem>>
      %dma_start3A_125 = tpu.memref_squeeze %dma_start3A_124 : memref<1x50xi32, #tpu.memory_space<vmem>> -> memref<50xi32, #tpu.memory_space<vmem>>
      %dma_start3A_126 = arith.constant 0 : i32
      %dma_start3A_127 = arith.constant 0 : i32
      %dma_start3A_128 = tpu.memref_slice %arg3[%dma_start3A_126, %dma_start3A_127] : memref<1000000x32xf32, #tpu.memory_space<hbm>> -> memref<1000000x32xf32, #tpu.memory_space<hbm>>
      tpu.enqueue_indirect_dma source(%dma_start3A_128 : memref<1000000x32xf32, #tpu.memory_space<hbm>>) target(%arg8 : memref<50x32xf32, #tpu.memory_space<vmem>>) offsets(%dma_start3A_125 : memref<50xi32, #tpu.memory_space<vmem>>) semaphore(%arg16 : memref<!tpu.dma_semaphore, #tpu.memory_space<semaphore_mem>>)
      %mul3A_129 = arith.constant 8 : i32
      %mul3A_130 = arith.muli %scan3A_87, %mul3A_129 : i32
      %add3A_131 = arith.constant 3 : i32
      %add3A_132 = arith.addi %mul3A_130, %add3A_131 : i32
      %gt3A_133 = arith.constant 0 : i32
      %gt3A_134 = arith.cmpi sgt, %scan3A_87, %gt3A_133 : i32
      %convert_element_type3A_135 = arith.extui %gt3A_134 : i1 to i32
      %cond3A_136 = arith.constant 0 : i32
      %cond3A_137 = arith.cmpi ne, %convert_element_type3A_135, %cond3A_136 : i32
      scf.if %cond3A_137 {
        %add3A_356 = arith.addi %mul3A_2, %add3A_132 : i32
        %sub3A = arith.constant 8 : i32
        %sub3A_357 = arith.subi %add3A_356, %sub3A : i32
        %dma_wait3A_358 = arith.constant 0 : i32
        %dma_wait3A_359 = arith.constant 0 : i32
        %dma_wait3A_360 = tpu.memref_slice %arg4[%sub3A_357, %dma_wait3A_358, %dma_wait3A_359] : memref<16384x50x32xf32, #tpu.memory_space<hbm>> -> memref<1x50x32xf32, #tpu.memory_space<hbm>>
        %dma_wait3A_361 = tpu.memref_squeeze %dma_wait3A_360 : memref<1x50x32xf32, #tpu.memory_space<hbm>> -> memref<50x32xf32, #tpu.memory_space<hbm>>
        %dma_wait3A_362 = arith.constant 0 : i32
        %dma_wait3A_363 = arith.constant 0 : i32
        %dma_wait3A_364 = tpu.memref_slice %arg4[%sub3A_357, %dma_wait3A_362, %dma_wait3A_363] : memref<16384x50x32xf32, #tpu.memory_space<hbm>> -> memref<1x50x32xf32, #tpu.memory_space<hbm>>
        %dma_wait3A_365 = tpu.memref_squeeze %dma_wait3A_364 : memref<1x50x32xf32, #tpu.memory_space<hbm>> -> memref<50x32xf32, #tpu.memory_space<hbm>>
        tpu.wait_dma2 semaphore(%arg25 : memref<!tpu.dma_semaphore, #tpu.memory_space<semaphore_mem>>) src(%arg9 : memref<50x32xf32, #tpu.memory_space<vmem>>) dst(%dma_wait3A_365 : memref<50x32xf32, #tpu.memory_space<hbm>>)
      } else {
      }
      %dma_start3A_138 = arith.constant 0 : i32
      %dma_start3A_139 = tpu.memref_slice %arg5[%add3A_132, %dma_start3A_138] : memref<512x50xi32, #tpu.memory_space<vmem>> -> memref<1x50xi32, #tpu.memory_space<vmem>>
      %dma_start3A_140 = tpu.memref_squeeze %dma_start3A_139 : memref<1x50xi32, #tpu.memory_space<vmem>> -> memref<50xi32, #tpu.memory_space<vmem>>
      %dma_start3A_141 = arith.constant 0 : i32
      %dma_start3A_142 = arith.constant 0 : i32
      %dma_start3A_143 = tpu.memref_slice %arg3[%dma_start3A_141, %dma_start3A_142] : memref<1000000x32xf32, #tpu.memory_space<hbm>> -> memref<1000000x32xf32, #tpu.memory_space<hbm>>
      tpu.enqueue_indirect_dma source(%dma_start3A_143 : memref<1000000x32xf32, #tpu.memory_space<hbm>>) target(%arg9 : memref<50x32xf32, #tpu.memory_space<vmem>>) offsets(%dma_start3A_140 : memref<50xi32, #tpu.memory_space<vmem>>) semaphore(%arg17 : memref<!tpu.dma_semaphore, #tpu.memory_space<semaphore_mem>>)
      %mul3A_144 = arith.constant 8 : i32
      %mul3A_145 = arith.muli %scan3A_87, %mul3A_144 : i32
      %add3A_146 = arith.constant 4 : i32
      %add3A_147 = arith.addi %mul3A_145, %add3A_146 : i32
      %gt3A_148 = arith.constant 0 : i32
      %gt3A_149 = arith.cmpi sgt, %scan3A_87, %gt3A_148 : i32
      %convert_element_type3A_150 = arith.extui %gt3A_149 : i1 to i32
      %cond3A_151 = arith.constant 0 : i32
      %cond3A_152 = arith.cmpi ne, %convert_element_type3A_150, %cond3A_151 : i32
      scf.if %cond3A_152 {
        %add3A_356 = arith.addi %mul3A_2, %add3A_147 : i32
        %sub3A = arith.constant 8 : i32
        %sub3A_357 = arith.subi %add3A_356, %sub3A : i32
        %dma_wait3A_358 = arith.constant 0 : i32
        %dma_wait3A_359 = arith.constant 0 : i32
        %dma_wait3A_360 = tpu.memref_slice %arg4[%sub3A_357, %dma_wait3A_358, %dma_wait3A_359] : memref<16384x50x32xf32, #tpu.memory_space<hbm>> -> memref<1x50x32xf32, #tpu.memory_space<hbm>>
        %dma_wait3A_361 = tpu.memref_squeeze %dma_wait3A_360 : memref<1x50x32xf32, #tpu.memory_space<hbm>> -> memref<50x32xf32, #tpu.memory_space<hbm>>
        %dma_wait3A_362 = arith.constant 0 : i32
        %dma_wait3A_363 = arith.constant 0 : i32
        %dma_wait3A_364 = tpu.memref_slice %arg4[%sub3A_357, %dma_wait3A_362, %dma_wait3A_363] : memref<16384x50x32xf32, #tpu.memory_space<hbm>> -> memref<1x50x32xf32, #tpu.memory_space<hbm>>
        %dma_wait3A_365 = tpu.memref_squeeze %dma_wait3A_364 : memref<1x50x32xf32, #tpu.memory_space<hbm>> -> memref<50x32xf32, #tpu.memory_space<hbm>>
        tpu.wait_dma2 semaphore(%arg26 : memref<!tpu.dma_semaphore, #tpu.memory_space<semaphore_mem>>) src(%arg10 : memref<50x32xf32, #tpu.memory_space<vmem>>) dst(%dma_wait3A_365 : memref<50x32xf32, #tpu.memory_space<hbm>>)
      } else {
      }
      %dma_start3A_153 = arith.constant 0 : i32
      %dma_start3A_154 = tpu.memref_slice %arg5[%add3A_147, %dma_start3A_153] : memref<512x50xi32, #tpu.memory_space<vmem>> -> memref<1x50xi32, #tpu.memory_space<vmem>>
      %dma_start3A_155 = tpu.memref_squeeze %dma_start3A_154 : memref<1x50xi32, #tpu.memory_space<vmem>> -> memref<50xi32, #tpu.memory_space<vmem>>
      %dma_start3A_156 = arith.constant 0 : i32
      %dma_start3A_157 = arith.constant 0 : i32
      %dma_start3A_158 = tpu.memref_slice %arg3[%dma_start3A_156, %dma_start3A_157] : memref<1000000x32xf32, #tpu.memory_space<hbm>> -> memref<1000000x32xf32, #tpu.memory_space<hbm>>
      tpu.enqueue_indirect_dma source(%dma_start3A_158 : memref<1000000x32xf32, #tpu.memory_space<hbm>>) target(%arg10 : memref<50x32xf32, #tpu.memory_space<vmem>>) offsets(%dma_start3A_155 : memref<50xi32, #tpu.memory_space<vmem>>) semaphore(%arg18 : memref<!tpu.dma_semaphore, #tpu.memory_space<semaphore_mem>>)
      %mul3A_159 = arith.constant 8 : i32
      %mul3A_160 = arith.muli %scan3A_87, %mul3A_159 : i32
      %add3A_161 = arith.constant 5 : i32
      %add3A_162 = arith.addi %mul3A_160, %add3A_161 : i32
      %gt3A_163 = arith.constant 0 : i32
      %gt3A_164 = arith.cmpi sgt, %scan3A_87, %gt3A_163 : i32
      %convert_element_type3A_165 = arith.extui %gt3A_164 : i1 to i32
      %cond3A_166 = arith.constant 0 : i32
      %cond3A_167 = arith.cmpi ne, %convert_element_type3A_165, %cond3A_166 : i32
      scf.if %cond3A_167 {
        %add3A_356 = arith.addi %mul3A_2, %add3A_162 : i32
        %sub3A = arith.constant 8 : i32
        %sub3A_357 = arith.subi %add3A_356, %sub3A : i32
        %dma_wait3A_358 = arith.constant 0 : i32
        %dma_wait3A_359 = arith.constant 0 : i32
        %dma_wait3A_360 = tpu.memref_slice %arg4[%sub3A_357, %dma_wait3A_358, %dma_wait3A_359] : memref<16384x50x32xf32, #tpu.memory_space<hbm>> -> memref<1x50x32xf32, #tpu.memory_space<hbm>>
        %dma_wait3A_361 = tpu.memref_squeeze %dma_wait3A_360 : memref<1x50x32xf32, #tpu.memory_space<hbm>> -> memref<50x32xf32, #tpu.memory_space<hbm>>
        %dma_wait3A_362 = arith.constant 0 : i32
        %dma_wait3A_363 = arith.constant 0 : i32
        %dma_wait3A_364 = tpu.memref_slice %arg4[%sub3A_357, %dma_wait3A_362, %dma_wait3A_363] : memref<16384x50x32xf32, #tpu.memory_space<hbm>> -> memref<1x50x32xf32, #tpu.memory_space<hbm>>
        %dma_wait3A_365 = tpu.memref_squeeze %dma_wait3A_364 : memref<1x50x32xf32, #tpu.memory_space<hbm>> -> memref<50x32xf32, #tpu.memory_space<hbm>>
        tpu.wait_dma2 semaphore(%arg27 : memref<!tpu.dma_semaphore, #tpu.memory_space<semaphore_mem>>) src(%arg11 : memref<50x32xf32, #tpu.memory_space<vmem>>) dst(%dma_wait3A_365 : memref<50x32xf32, #tpu.memory_space<hbm>>)
      } else {
      }
      %dma_start3A_168 = arith.constant 0 : i32
      %dma_start3A_169 = tpu.memref_slice %arg5[%add3A_162, %dma_start3A_168] : memref<512x50xi32, #tpu.memory_space<vmem>> -> memref<1x50xi32, #tpu.memory_space<vmem>>
      %dma_start3A_170 = tpu.memref_squeeze %dma_start3A_169 : memref<1x50xi32, #tpu.memory_space<vmem>> -> memref<50xi32, #tpu.memory_space<vmem>>
      %dma_start3A_171 = arith.constant 0 : i32
      %dma_start3A_172 = arith.constant 0 : i32
      %dma_start3A_173 = tpu.memref_slice %arg3[%dma_start3A_171, %dma_start3A_172] : memref<1000000x32xf32, #tpu.memory_space<hbm>> -> memref<1000000x32xf32, #tpu.memory_space<hbm>>
      tpu.enqueue_indirect_dma source(%dma_start3A_173 : memref<1000000x32xf32, #tpu.memory_space<hbm>>) target(%arg11 : memref<50x32xf32, #tpu.memory_space<vmem>>) offsets(%dma_start3A_170 : memref<50xi32, #tpu.memory_space<vmem>>) semaphore(%arg19 : memref<!tpu.dma_semaphore, #tpu.memory_space<semaphore_mem>>)
      %mul3A_174 = arith.constant 8 : i32
      %mul3A_175 = arith.muli %scan3A_87, %mul3A_174 : i32
      %add3A_176 = arith.constant 6 : i32
      %add3A_177 = arith.addi %mul3A_175, %add3A_176 : i32
      %gt3A_178 = arith.constant 0 : i32
      %gt3A_179 = arith.cmpi sgt, %scan3A_87, %gt3A_178 : i32
      %convert_element_type3A_180 = arith.extui %gt3A_179 : i1 to i32
      %cond3A_181 = arith.constant 0 : i32
      %cond3A_182 = arith.cmpi ne, %convert_element_type3A_180, %cond3A_181 : i32
      scf.if %cond3A_182 {
        %add3A_356 = arith.addi %mul3A_2, %add3A_177 : i32
        %sub3A = arith.constant 8 : i32
        %sub3A_357 = arith.subi %add3A_356, %sub3A : i32
        %dma_wait3A_358 = arith.constant 0 : i32
        %dma_wait3A_359 = arith.constant 0 : i32
        %dma_wait3A_360 = tpu.memref_slice %arg4[%sub3A_357, %dma_wait3A_358, %dma_wait3A_359] : memref<16384x50x32xf32, #tpu.memory_space<hbm>> -> memref<1x50x32xf32, #tpu.memory_space<hbm>>
        %dma_wait3A_361 = tpu.memref_squeeze %dma_wait3A_360 : memref<1x50x32xf32, #tpu.memory_space<hbm>> -> memref<50x32xf32, #tpu.memory_space<hbm>>
        %dma_wait3A_362 = arith.constant 0 : i32
        %dma_wait3A_363 = arith.constant 0 : i32
        %dma_wait3A_364 = tpu.memref_slice %arg4[%sub3A_357, %dma_wait3A_362, %dma_wait3A_363] : memref<16384x50x32xf32, #tpu.memory_space<hbm>> -> memref<1x50x32xf32, #tpu.memory_space<hbm>>
        %dma_wait3A_365 = tpu.memref_squeeze %dma_wait3A_364 : memref<1x50x32xf32, #tpu.memory_space<hbm>> -> memref<50x32xf32, #tpu.memory_space<hbm>>
        tpu.wait_dma2 semaphore(%arg28 : memref<!tpu.dma_semaphore, #tpu.memory_space<semaphore_mem>>) src(%arg12 : memref<50x32xf32, #tpu.memory_space<vmem>>) dst(%dma_wait3A_365 : memref<50x32xf32, #tpu.memory_space<hbm>>)
      } else {
      }
      %dma_start3A_183 = arith.constant 0 : i32
      %dma_start3A_184 = tpu.memref_slice %arg5[%add3A_177, %dma_start3A_183] : memref<512x50xi32, #tpu.memory_space<vmem>> -> memref<1x50xi32, #tpu.memory_space<vmem>>
      %dma_start3A_185 = tpu.memref_squeeze %dma_start3A_184 : memref<1x50xi32, #tpu.memory_space<vmem>> -> memref<50xi32, #tpu.memory_space<vmem>>
      %dma_start3A_186 = arith.constant 0 : i32
      %dma_start3A_187 = arith.constant 0 : i32
      %dma_start3A_188 = tpu.memref_slice %arg3[%dma_start3A_186, %dma_start3A_187] : memref<1000000x32xf32, #tpu.memory_space<hbm>> -> memref<1000000x32xf32, #tpu.memory_space<hbm>>
      tpu.enqueue_indirect_dma source(%dma_start3A_188 : memref<1000000x32xf32, #tpu.memory_space<hbm>>) target(%arg12 : memref<50x32xf32, #tpu.memory_space<vmem>>) offsets(%dma_start3A_185 : memref<50xi32, #tpu.memory_space<vmem>>) semaphore(%arg20 : memref<!tpu.dma_semaphore, #tpu.memory_space<semaphore_mem>>)
      %mul3A_189 = arith.constant 8 : i32
      %mul3A_190 = arith.muli %scan3A_87, %mul3A_189 : i32
      %add3A_191 = arith.constant 7 : i32
      %add3A_192 = arith.addi %mul3A_190, %add3A_191 : i32
      %gt3A_193 = arith.constant 0 : i32
      %gt3A_194 = arith.cmpi sgt, %scan3A_87, %gt3A_193 : i32
      %convert_element_type3A_195 = arith.extui %gt3A_194 : i1 to i32
      %cond3A_196 = arith.constant 0 : i32
      %cond3A_197 = arith.cmpi ne, %convert_element_type3A_195, %cond3A_196 : i32
      scf.if %cond3A_197 {
        %add3A_356 = arith.addi %mul3A_2, %add3A_192 : i32
        %sub3A = arith.constant 8 : i32
        %sub3A_357 = arith.subi %add3A_356, %sub3A : i32
        %dma_wait3A_358 = arith.constant 0 : i32
        %dma_wait3A_359 = arith.constant 0 : i32
        %dma_wait3A_360 = tpu.memref_slice %arg4[%sub3A_357, %dma_wait3A_358, %dma_wait3A_359] : memref<16384x50x32xf32, #tpu.memory_space<hbm>> -> memref<1x50x32xf32, #tpu.memory_space<hbm>>
        %dma_wait3A_361 = tpu.memref_squeeze %dma_wait3A_360 : memref<1x50x32xf32, #tpu.memory_space<hbm>> -> memref<50x32xf32, #tpu.memory_space<hbm>>
        %dma_wait3A_362 = arith.constant 0 : i32
        %dma_wait3A_363 = arith.constant 0 : i32
        %dma_wait3A_364 = tpu.memref_slice %arg4[%sub3A_357, %dma_wait3A_362, %dma_wait3A_363] : memref<16384x50x32xf32, #tpu.memory_space<hbm>> -> memref<1x50x32xf32, #tpu.memory_space<hbm>>
        %dma_wait3A_365 = tpu.memref_squeeze %dma_wait3A_364 : memref<1x50x32xf32, #tpu.memory_space<hbm>> -> memref<50x32xf32, #tpu.memory_space<hbm>>
        tpu.wait_dma2 semaphore(%arg29 : memref<!tpu.dma_semaphore, #tpu.memory_space<semaphore_mem>>) src(%arg13 : memref<50x32xf32, #tpu.memory_space<vmem>>) dst(%dma_wait3A_365 : memref<50x32xf32, #tpu.memory_space<hbm>>)
      } else {
      }
      %dma_start3A_198 = arith.constant 0 : i32
      %dma_start3A_199 = tpu.memref_slice %arg5[%add3A_192, %dma_start3A_198] : memref<512x50xi32, #tpu.memory_space<vmem>> -> memref<1x50xi32, #tpu.memory_space<vmem>>
      %dma_start3A_200 = tpu.memref_squeeze %dma_start3A_199 : memref<1x50xi32, #tpu.memory_space<vmem>> -> memref<50xi32, #tpu.memory_space<vmem>>
      %dma_start3A_201 = arith.constant 0 : i32
      %dma_start3A_202 = arith.constant 0 : i32
      %dma_start3A_203 = tpu.memref_slice %arg3[%dma_start3A_201, %dma_start3A_202] : memref<1000000x32xf32, #tpu.memory_space<hbm>> -> memref<1000000x32xf32, #tpu.memory_space<hbm>>
      tpu.enqueue_indirect_dma source(%dma_start3A_203 : memref<1000000x32xf32, #tpu.memory_space<hbm>>) target(%arg13 : memref<50x32xf32, #tpu.memory_space<vmem>>) offsets(%dma_start3A_200 : memref<50xi32, #tpu.memory_space<vmem>>) semaphore(%arg21 : memref<!tpu.dma_semaphore, #tpu.memory_space<semaphore_mem>>)
      %mul3A_204 = arith.constant 8 : i32
      %mul3A_205 = arith.muli %scan3A_87, %mul3A_204 : i32
      %add3A_206 = arith.constant 0 : i32
      %add3A_207 = arith.addi %mul3A_205, %add3A_206 : i32
      %dma_wait3A_208 = arith.constant 0 : i32
      %dma_wait3A_209 = tpu.memref_slice %arg5[%add3A_207, %dma_wait3A_208] : memref<512x50xi32, #tpu.memory_space<vmem>> -> memref<1x50xi32, #tpu.memory_space<vmem>>
      %dma_wait3A_210 = tpu.memref_squeeze %dma_wait3A_209 : memref<1x50xi32, #tpu.memory_space<vmem>> -> memref<50xi32, #tpu.memory_space<vmem>>
      %dma_wait3A_211 = arith.constant 0 : i32
      %dma_wait3A_212 = arith.constant 0 : i32
      %dma_wait3A_213 = tpu.memref_slice %arg3[%dma_wait3A_211, %dma_wait3A_212] : memref<1000000x32xf32, #tpu.memory_space<hbm>> -> memref<1000000x32xf32, #tpu.memory_space<hbm>>
      tpu.wait_indirect_dma semaphore(%arg14 : memref<!tpu.dma_semaphore, #tpu.memory_space<semaphore_mem>>) src(%dma_wait3A_213 : memref<1000000x32xf32, #tpu.memory_space<hbm>>) dst(%arg6 : memref<50x32xf32, #tpu.memory_space<vmem>>)
      %add3A_214 = arith.addi %mul3A_2, %add3A_207 : i32
      %dma_start3A_215 = arith.constant 0 : i32
      %dma_start3A_216 = arith.constant 0 : i32
      %dma_start3A_217 = tpu.memref_slice %arg4[%add3A_214, %dma_start3A_215, %dma_start3A_216] : memref<16384x50x32xf32, #tpu.memory_space<hbm>> -> memref<1x50x32xf32, #tpu.memory_space<hbm>>
      %dma_start3A_218 = tpu.memref_squeeze %dma_start3A_217 : memref<1x50x32xf32, #tpu.memory_space<hbm>> -> memref<50x32xf32, #tpu.memory_space<hbm>>
      %dma_start3A_219 = arith.constant 0 : i32
      %dma_start3A_220 = arith.constant 0 : i32
      %dma_start3A_221 = tpu.memref_slice %arg4[%add3A_214, %dma_start3A_219, %dma_start3A_220] : memref<16384x50x32xf32, #tpu.memory_space<hbm>> -> memref<1x50x32xf32, #tpu.memory_space<hbm>>
      %dma_start3A_222 = tpu.memref_squeeze %dma_start3A_221 : memref<1x50x32xf32, #tpu.memory_space<hbm>> -> memref<50x32xf32, #tpu.memory_space<hbm>>
      tpu.enqueue_dma source(%arg6 : memref<50x32xf32, #tpu.memory_space<vmem>>) target(%dma_start3A_222 : memref<50x32xf32, #tpu.memory_space<hbm>>) target_semaphore(%arg22 : memref<!tpu.dma_semaphore, #tpu.memory_space<semaphore_mem>>)
      %mul3A_223 = arith.constant 8 : i32
      %mul3A_224 = arith.muli %scan3A_87, %mul3A_223 : i32
      %add3A_225 = arith.constant 1 : i32
      %add3A_226 = arith.addi %mul3A_224, %add3A_225 : i32
      %dma_wait3A_227 = arith.constant 0 : i32
      %dma_wait3A_228 = tpu.memref_slice %arg5[%add3A_226, %dma_wait3A_227] : memref<512x50xi32, #tpu.memory_space<vmem>> -> memref<1x50xi32, #tpu.memory_space<vmem>>
      %dma_wait3A_229 = tpu.memref_squeeze %dma_wait3A_228 : memref<1x50xi32, #tpu.memory_space<vmem>> -> memref<50xi32, #tpu.memory_space<vmem>>
      %dma_wait3A_230 = arith.constant 0 : i32
      %dma_wait3A_231 = arith.constant 0 : i32
      %dma_wait3A_232 = tpu.memref_slice %arg3[%dma_wait3A_230, %dma_wait3A_231] : memref<1000000x32xf32, #tpu.memory_space<hbm>> -> memref<1000000x32xf32, #tpu.memory_space<hbm>>
      tpu.wait_indirect_dma semaphore(%arg15 : memref<!tpu.dma_semaphore, #tpu.memory_space<semaphore_mem>>) src(%dma_wait3A_232 : memref<1000000x32xf32, #tpu.memory_space<hbm>>) dst(%arg7 : memref<50x32xf32, #tpu.memory_space<vmem>>)
      %add3A_233 = arith.addi %mul3A_2, %add3A_226 : i32
      %dma_start3A_234 = arith.constant 0 : i32
      %dma_start3A_235 = arith.constant 0 : i32
      %dma_start3A_236 = tpu.memref_slice %arg4[%add3A_233, %dma_start3A_234, %dma_start3A_235] : memref<16384x50x32xf32, #tpu.memory_space<hbm>> -> memref<1x50x32xf32, #tpu.memory_space<hbm>>
      %dma_start3A_237 = tpu.memref_squeeze %dma_start3A_236 : memref<1x50x32xf32, #tpu.memory_space<hbm>> -> memref<50x32xf32, #tpu.memory_space<hbm>>
      %dma_start3A_238 = arith.constant 0 : i32
      %dma_start3A_239 = arith.constant 0 : i32
      %dma_start3A_240 = tpu.memref_slice %arg4[%add3A_233, %dma_start3A_238, %dma_start3A_239] : memref<16384x50x32xf32, #tpu.memory_space<hbm>> -> memref<1x50x32xf32, #tpu.memory_space<hbm>>
      %dma_start3A_241 = tpu.memref_squeeze %dma_start3A_240 : memref<1x50x32xf32, #tpu.memory_space<hbm>> -> memref<50x32xf32, #tpu.memory_space<hbm>>
      tpu.enqueue_dma source(%arg7 : memref<50x32xf32, #tpu.memory_space<vmem>>) target(%dma_start3A_241 : memref<50x32xf32, #tpu.memory_space<hbm>>) target_semaphore(%arg23 : memref<!tpu.dma_semaphore, #tpu.memory_space<semaphore_mem>>)
      %mul3A_242 = arith.constant 8 : i32
      %mul3A_243 = arith.muli %scan3A_87, %mul3A_242 : i32
      %add3A_244 = arith.constant 2 : i32
      %add3A_245 = arith.addi %mul3A_243, %add3A_244 : i32
      %dma_wait3A_246 = arith.constant 0 : i32
      %dma_wait3A_247 = tpu.memref_slice %arg5[%add3A_245, %dma_wait3A_246] : memref<512x50xi32, #tpu.memory_space<vmem>> -> memref<1x50xi32, #tpu.memory_space<vmem>>
      %dma_wait3A_248 = tpu.memref_squeeze %dma_wait3A_247 : memref<1x50xi32, #tpu.memory_space<vmem>> -> memref<50xi32, #tpu.memory_space<vmem>>
      %dma_wait3A_249 = arith.constant 0 : i32
      %dma_wait3A_250 = arith.constant 0 : i32
      %dma_wait3A_251 = tpu.memref_slice %arg3[%dma_wait3A_249, %dma_wait3A_250] : memref<1000000x32xf32, #tpu.memory_space<hbm>> -> memref<1000000x32xf32, #tpu.memory_space<hbm>>
      tpu.wait_indirect_dma semaphore(%arg16 : memref<!tpu.dma_semaphore, #tpu.memory_space<semaphore_mem>>) src(%dma_wait3A_251 : memref<1000000x32xf32, #tpu.memory_space<hbm>>) dst(%arg8 : memref<50x32xf32, #tpu.memory_space<vmem>>)
      %add3A_252 = arith.addi %mul3A_2, %add3A_245 : i32
      %dma_start3A_253 = arith.constant 0 : i32
      %dma_start3A_254 = arith.constant 0 : i32
      %dma_start3A_255 = tpu.memref_slice %arg4[%add3A_252, %dma_start3A_253, %dma_start3A_254] : memref<16384x50x32xf32, #tpu.memory_space<hbm>> -> memref<1x50x32xf32, #tpu.memory_space<hbm>>
      %dma_start3A_256 = tpu.memref_squeeze %dma_start3A_255 : memref<1x50x32xf32, #tpu.memory_space<hbm>> -> memref<50x32xf32, #tpu.memory_space<hbm>>
      %dma_start3A_257 = arith.constant 0 : i32
      %dma_start3A_258 = arith.constant 0 : i32
      %dma_start3A_259 = tpu.memref_slice %arg4[%add3A_252, %dma_start3A_257, %dma_start3A_258] : memref<16384x50x32xf32, #tpu.memory_space<hbm>> -> memref<1x50x32xf32, #tpu.memory_space<hbm>>
      %dma_start3A_260 = tpu.memref_squeeze %dma_start3A_259 : memref<1x50x32xf32, #tpu.memory_space<hbm>> -> memref<50x32xf32, #tpu.memory_space<hbm>>
      tpu.enqueue_dma source(%arg8 : memref<50x32xf32, #tpu.memory_space<vmem>>) target(%dma_start3A_260 : memref<50x32xf32, #tpu.memory_space<hbm>>) target_semaphore(%arg24 : memref<!tpu.dma_semaphore, #tpu.memory_space<semaphore_mem>>)
      %mul3A_261 = arith.constant 8 : i32
      %mul3A_262 = arith.muli %scan3A_87, %mul3A_261 : i32
      %add3A_263 = arith.constant 3 : i32
      %add3A_264 = arith.addi %mul3A_262, %add3A_263 : i32
      %dma_wait3A_265 = arith.constant 0 : i32
      %dma_wait3A_266 = tpu.memref_slice %arg5[%add3A_264, %dma_wait3A_265] : memref<512x50xi32, #tpu.memory_space<vmem>> -> memref<1x50xi32, #tpu.memory_space<vmem>>
      %dma_wait3A_267 = tpu.memref_squeeze %dma_wait3A_266 : memref<1x50xi32, #tpu.memory_space<vmem>> -> memref<50xi32, #tpu.memory_space<vmem>>
      %dma_wait3A_268 = arith.constant 0 : i32
      %dma_wait3A_269 = arith.constant 0 : i32
      %dma_wait3A_270 = tpu.memref_slice %arg3[%dma_wait3A_268, %dma_wait3A_269] : memref<1000000x32xf32, #tpu.memory_space<hbm>> -> memref<1000000x32xf32, #tpu.memory_space<hbm>>
      tpu.wait_indirect_dma semaphore(%arg17 : memref<!tpu.dma_semaphore, #tpu.memory_space<semaphore_mem>>) src(%dma_wait3A_270 : memref<1000000x32xf32, #tpu.memory_space<hbm>>) dst(%arg9 : memref<50x32xf32, #tpu.memory_space<vmem>>)
      %add3A_271 = arith.addi %mul3A_2, %add3A_264 : i32
      %dma_start3A_272 = arith.constant 0 : i32
      %dma_start3A_273 = arith.constant 0 : i32
      %dma_start3A_274 = tpu.memref_slice %arg4[%add3A_271, %dma_start3A_272, %dma_start3A_273] : memref<16384x50x32xf32, #tpu.memory_space<hbm>> -> memref<1x50x32xf32, #tpu.memory_space<hbm>>
      %dma_start3A_275 = tpu.memref_squeeze %dma_start3A_274 : memref<1x50x32xf32, #tpu.memory_space<hbm>> -> memref<50x32xf32, #tpu.memory_space<hbm>>
      %dma_start3A_276 = arith.constant 0 : i32
      %dma_start3A_277 = arith.constant 0 : i32
      %dma_start3A_278 = tpu.memref_slice %arg4[%add3A_271, %dma_start3A_276, %dma_start3A_277] : memref<16384x50x32xf32, #tpu.memory_space<hbm>> -> memref<1x50x32xf32, #tpu.memory_space<hbm>>
      %dma_start3A_279 = tpu.memref_squeeze %dma_start3A_278 : memref<1x50x32xf32, #tpu.memory_space<hbm>> -> memref<50x32xf32, #tpu.memory_space<hbm>>
      tpu.enqueue_dma source(%arg9 : memref<50x32xf32, #tpu.memory_space<vmem>>) target(%dma_start3A_279 : memref<50x32xf32, #tpu.memory_space<hbm>>) target_semaphore(%arg25 : memref<!tpu.dma_semaphore, #tpu.memory_space<semaphore_mem>>)
      %mul3A_280 = arith.constant 8 : i32
      %mul3A_281 = arith.muli %scan3A_87, %mul3A_280 : i32
      %add3A_282 = arith.constant 4 : i32
      %add3A_283 = arith.addi %mul3A_281, %add3A_282 : i32
      %dma_wait3A_284 = arith.constant 0 : i32
      %dma_wait3A_285 = tpu.memref_slice %arg5[%add3A_283, %dma_wait3A_284] : memref<512x50xi32, #tpu.memory_space<vmem>> -> memref<1x50xi32, #tpu.memory_space<vmem>>
      %dma_wait3A_286 = tpu.memref_squeeze %dma_wait3A_285 : memref<1x50xi32, #tpu.memory_space<vmem>> -> memref<50xi32, #tpu.memory_space<vmem>>
      %dma_wait3A_287 = arith.constant 0 : i32
      %dma_wait3A_288 = arith.constant 0 : i32
      %dma_wait3A_289 = tpu.memref_slice %arg3[%dma_wait3A_287, %dma_wait3A_288] : memref<1000000x32xf32, #tpu.memory_space<hbm>> -> memref<1000000x32xf32, #tpu.memory_space<hbm>>
      tpu.wait_indirect_dma semaphore(%arg18 : memref<!tpu.dma_semaphore, #tpu.memory_space<semaphore_mem>>) src(%dma_wait3A_289 : memref<1000000x32xf32, #tpu.memory_space<hbm>>) dst(%arg10 : memref<50x32xf32, #tpu.memory_space<vmem>>)
      %add3A_290 = arith.addi %mul3A_2, %add3A_283 : i32
      %dma_start3A_291 = arith.constant 0 : i32
      %dma_start3A_292 = arith.constant 0 : i32
      %dma_start3A_293 = tpu.memref_slice %arg4[%add3A_290, %dma_start3A_291, %dma_start3A_292] : memref<16384x50x32xf32, #tpu.memory_space<hbm>> -> memref<1x50x32xf32, #tpu.memory_space<hbm>>
      %dma_start3A_294 = tpu.memref_squeeze %dma_start3A_293 : memref<1x50x32xf32, #tpu.memory_space<hbm>> -> memref<50x32xf32, #tpu.memory_space<hbm>>
      %dma_start3A_295 = arith.constant 0 : i32
      %dma_start3A_296 = arith.constant 0 : i32
      %dma_start3A_297 = tpu.memref_slice %arg4[%add3A_290, %dma_start3A_295, %dma_start3A_296] : memref<16384x50x32xf32, #tpu.memory_space<hbm>> -> memref<1x50x32xf32, #tpu.memory_space<hbm>>
      %dma_start3A_298 = tpu.memref_squeeze %dma_start3A_297 : memref<1x50x32xf32, #tpu.memory_space<hbm>> -> memref<50x32xf32, #tpu.memory_space<hbm>>
      tpu.enqueue_dma source(%arg10 : memref<50x32xf32, #tpu.memory_space<vmem>>) target(%dma_start3A_298 : memref<50x32xf32, #tpu.memory_space<hbm>>) target_semaphore(%arg26 : memref<!tpu.dma_semaphore, #tpu.memory_space<semaphore_mem>>)
      %mul3A_299 = arith.constant 8 : i32
      %mul3A_300 = arith.muli %scan3A_87, %mul3A_299 : i32
      %add3A_301 = arith.constant 5 : i32
      %add3A_302 = arith.addi %mul3A_300, %add3A_301 : i32
      %dma_wait3A_303 = arith.constant 0 : i32
      %dma_wait3A_304 = tpu.memref_slice %arg5[%add3A_302, %dma_wait3A_303] : memref<512x50xi32, #tpu.memory_space<vmem>> -> memref<1x50xi32, #tpu.memory_space<vmem>>
      %dma_wait3A_305 = tpu.memref_squeeze %dma_wait3A_304 : memref<1x50xi32, #tpu.memory_space<vmem>> -> memref<50xi32, #tpu.memory_space<vmem>>
      %dma_wait3A_306 = arith.constant 0 : i32
      %dma_wait3A_307 = arith.constant 0 : i32
      %dma_wait3A_308 = tpu.memref_slice %arg3[%dma_wait3A_306, %dma_wait3A_307] : memref<1000000x32xf32, #tpu.memory_space<hbm>> -> memref<1000000x32xf32, #tpu.memory_space<hbm>>
      tpu.wait_indirect_dma semaphore(%arg19 : memref<!tpu.dma_semaphore, #tpu.memory_space<semaphore_mem>>) src(%dma_wait3A_308 : memref<1000000x32xf32, #tpu.memory_space<hbm>>) dst(%arg11 : memref<50x32xf32, #tpu.memory_space<vmem>>)
      %add3A_309 = arith.addi %mul3A_2, %add3A_302 : i32
      %dma_start3A_310 = arith.constant 0 : i32
      %dma_start3A_311 = arith.constant 0 : i32
      %dma_start3A_312 = tpu.memref_slice %arg4[%add3A_309, %dma_start3A_310, %dma_start3A_311] : memref<16384x50x32xf32, #tpu.memory_space<hbm>> -> memref<1x50x32xf32, #tpu.memory_space<hbm>>
      %dma_start3A_313 = tpu.memref_squeeze %dma_start3A_312 : memref<1x50x32xf32, #tpu.memory_space<hbm>> -> memref<50x32xf32, #tpu.memory_space<hbm>>
      %dma_start3A_314 = arith.constant 0 : i32
      %dma_start3A_315 = arith.constant 0 : i32
      %dma_start3A_316 = tpu.memref_slice %arg4[%add3A_309, %dma_start3A_314, %dma_start3A_315] : memref<16384x50x32xf32, #tpu.memory_space<hbm>> -> memref<1x50x32xf32, #tpu.memory_space<hbm>>
      %dma_start3A_317 = tpu.memref_squeeze %dma_start3A_316 : memref<1x50x32xf32, #tpu.memory_space<hbm>> -> memref<50x32xf32, #tpu.memory_space<hbm>>
      tpu.enqueue_dma source(%arg11 : memref<50x32xf32, #tpu.memory_space<vmem>>) target(%dma_start3A_317 : memref<50x32xf32, #tpu.memory_space<hbm>>) target_semaphore(%arg27 : memref<!tpu.dma_semaphore, #tpu.memory_space<semaphore_mem>>)
      %mul3A_318 = arith.constant 8 : i32
      %mul3A_319 = arith.muli %scan3A_87, %mul3A_318 : i32
      %add3A_320 = arith.constant 6 : i32
      %add3A_321 = arith.addi %mul3A_319, %add3A_320 : i32
      %dma_wait3A_322 = arith.constant 0 : i32
      %dma_wait3A_323 = tpu.memref_slice %arg5[%add3A_321, %dma_wait3A_322] : memref<512x50xi32, #tpu.memory_space<vmem>> -> memref<1x50xi32, #tpu.memory_space<vmem>>
      %dma_wait3A_324 = tpu.memref_squeeze %dma_wait3A_323 : memref<1x50xi32, #tpu.memory_space<vmem>> -> memref<50xi32, #tpu.memory_space<vmem>>
      %dma_wait3A_325 = arith.constant 0 : i32
      %dma_wait3A_326 = arith.constant 0 : i32
      %dma_wait3A_327 = tpu.memref_slice %arg3[%dma_wait3A_325, %dma_wait3A_326] : memref<1000000x32xf32, #tpu.memory_space<hbm>> -> memref<1000000x32xf32, #tpu.memory_space<hbm>>
      tpu.wait_indirect_dma semaphore(%arg20 : memref<!tpu.dma_semaphore, #tpu.memory_space<semaphore_mem>>) src(%dma_wait3A_327 : memref<1000000x32xf32, #tpu.memory_space<hbm>>) dst(%arg12 : memref<50x32xf32, #tpu.memory_space<vmem>>)
      %add3A_328 = arith.addi %mul3A_2, %add3A_321 : i32
      %dma_start3A_329 = arith.constant 0 : i32
      %dma_start3A_330 = arith.constant 0 : i32
      %dma_start3A_331 = tpu.memref_slice %arg4[%add3A_328, %dma_start3A_329, %dma_start3A_330] : memref<16384x50x32xf32, #tpu.memory_space<hbm>> -> memref<1x50x32xf32, #tpu.memory_space<hbm>>
      %dma_start3A_332 = tpu.memref_squeeze %dma_start3A_331 : memref<1x50x32xf32, #tpu.memory_space<hbm>> -> memref<50x32xf32, #tpu.memory_space<hbm>>
      %dma_start3A_333 = arith.constant 0 : i32
      %dma_start3A_334 = arith.constant 0 : i32
      %dma_start3A_335 = tpu.memref_slice %arg4[%add3A_328, %dma_start3A_333, %dma_start3A_334] : memref<16384x50x32xf32, #tpu.memory_space<hbm>> -> memref<1x50x32xf32, #tpu.memory_space<hbm>>
      %dma_start3A_336 = tpu.memref_squeeze %dma_start3A_335 : memref<1x50x32xf32, #tpu.memory_space<hbm>> -> memref<50x32xf32, #tpu.memory_space<hbm>>
      tpu.enqueue_dma source(%arg12 : memref<50x32xf32, #tpu.memory_space<vmem>>) target(%dma_start3A_336 : memref<50x32xf32, #tpu.memory_space<hbm>>) target_semaphore(%arg28 : memref<!tpu.dma_semaphore, #tpu.memory_space<semaphore_mem>>)
      %mul3A_337 = arith.constant 8 : i32
      %mul3A_338 = arith.muli %scan3A_87, %mul3A_337 : i32
      %add3A_339 = arith.constant 7 : i32
      %add3A_340 = arith.addi %mul3A_338, %add3A_339 : i32
      %dma_wait3A_341 = arith.constant 0 : i32
      %dma_wait3A_342 = tpu.memref_slice %arg5[%add3A_340, %dma_wait3A_341] : memref<512x50xi32, #tpu.memory_space<vmem>> -> memref<1x50xi32, #tpu.memory_space<vmem>>
      %dma_wait3A_343 = tpu.memref_squeeze %dma_wait3A_342 : memref<1x50xi32, #tpu.memory_space<vmem>> -> memref<50xi32, #tpu.memory_space<vmem>>
      %dma_wait3A_344 = arith.constant 0 : i32
      %dma_wait3A_345 = arith.constant 0 : i32
      %dma_wait3A_346 = tpu.memref_slice %arg3[%dma_wait3A_344, %dma_wait3A_345] : memref<1000000x32xf32, #tpu.memory_space<hbm>> -> memref<1000000x32xf32, #tpu.memory_space<hbm>>
      tpu.wait_indirect_dma semaphore(%arg21 : memref<!tpu.dma_semaphore, #tpu.memory_space<semaphore_mem>>) src(%dma_wait3A_346 : memref<1000000x32xf32, #tpu.memory_space<hbm>>) dst(%arg13 : memref<50x32xf32, #tpu.memory_space<vmem>>)
      %add3A_347 = arith.addi %mul3A_2, %add3A_340 : i32
      %dma_start3A_348 = arith.constant 0 : i32
      %dma_start3A_349 = arith.constant 0 : i32
      %dma_start3A_350 = tpu.memref_slice %arg4[%add3A_347, %dma_start3A_348, %dma_start3A_349] : memref<16384x50x32xf32, #tpu.memory_space<hbm>> -> memref<1x50x32xf32, #tpu.memory_space<hbm>>
      %dma_start3A_351 = tpu.memref_squeeze %dma_start3A_350 : memref<1x50x32xf32, #tpu.memory_space<hbm>> -> memref<50x32xf32, #tpu.memory_space<hbm>>
      %dma_start3A_352 = arith.constant 0 : i32
      %dma_start3A_353 = arith.constant 0 : i32
      %dma_start3A_354 = tpu.memref_slice %arg4[%add3A_347, %dma_start3A_352, %dma_start3A_353] : memref<16384x50x32xf32, #tpu.memory_space<hbm>> -> memref<1x50x32xf32, #tpu.memory_space<hbm>>
      %dma_start3A_355 = tpu.memref_squeeze %dma_start3A_354 : memref<1x50x32xf32, #tpu.memory_space<hbm>> -> memref<50x32xf32, #tpu.memory_space<hbm>>
      tpu.enqueue_dma source(%arg13 : memref<50x32xf32, #tpu.memory_space<vmem>>) target(%dma_start3A_355 : memref<50x32xf32, #tpu.memory_space<hbm>>) target_semaphore(%arg29 : memref<!tpu.dma_semaphore, #tpu.memory_space<semaphore_mem>>)
    }
    %scan3A_7 = arith.constant 64 : i32
    %add3A_8 = arith.constant 504 : i32
    %add3A_9 = arith.addi %mul3A_2, %add3A_8 : i32
    %dma_wait3A = arith.constant 0 : i32
    %dma_wait3A_10 = arith.constant 0 : i32
    %dma_wait3A_11 = tpu.memref_slice %arg4[%add3A_9, %dma_wait3A, %dma_wait3A_10] : memref<16384x50x32xf32, #tpu.memory_space<hbm>> -> memref<1x50x32xf32, #tpu.memory_space<hbm>>
    %dma_wait3A_12 = tpu.memref_squeeze %dma_wait3A_11 : memref<1x50x32xf32, #tpu.memory_space<hbm>> -> memref<50x32xf32, #tpu.memory_space<hbm>>
    %dma_wait3A_13 = arith.constant 0 : i32
    %dma_wait3A_14 = arith.constant 0 : i32
    %dma_wait3A_15 = tpu.memref_slice %arg4[%add3A_9, %dma_wait3A_13, %dma_wait3A_14] : memref<16384x50x32xf32, #tpu.memory_space<hbm>> -> memref<1x50x32xf32, #tpu.memory_space<hbm>>
    %dma_wait3A_16 = tpu.memref_squeeze %dma_wait3A_15 : memref<1x50x32xf32, #tpu.memory_space<hbm>> -> memref<50x32xf32, #tpu.memory_space<hbm>>
    tpu.wait_dma2 semaphore(%arg22 : memref<!tpu.dma_semaphore, #tpu.memory_space<semaphore_mem>>) src(%arg6 : memref<50x32xf32, #tpu.memory_space<vmem>>) dst(%dma_wait3A_16 : memref<50x32xf32, #tpu.memory_space<hbm>>)
    %add3A_17 = arith.constant 505 : i32
    %add3A_18 = arith.addi %mul3A_2, %add3A_17 : i32
    %dma_wait3A_19 = arith.constant 0 : i32
    %dma_wait3A_20 = arith.constant 0 : i32
    %dma_wait3A_21 = tpu.memref_slice %arg4[%add3A_18, %dma_wait3A_19, %dma_wait3A_20] : memref<16384x50x32xf32, #tpu.memory_space<hbm>> -> memref<1x50x32xf32, #tpu.memory_space<hbm>>
    %dma_wait3A_22 = tpu.memref_squeeze %dma_wait3A_21 : memref<1x50x32xf32, #tpu.memory_space<hbm>> -> memref<50x32xf32, #tpu.memory_space<hbm>>
    %dma_wait3A_23 = arith.constant 0 : i32
    %dma_wait3A_24 = arith.constant 0 : i32
    %dma_wait3A_25 = tpu.memref_slice %arg4[%add3A_18, %dma_wait3A_23, %dma_wait3A_24] : memref<16384x50x32xf32, #tpu.memory_space<hbm>> -> memref<1x50x32xf32, #tpu.memory_space<hbm>>
    %dma_wait3A_26 = tpu.memref_squeeze %dma_wait3A_25 : memref<1x50x32xf32, #tpu.memory_space<hbm>> -> memref<50x32xf32, #tpu.memory_space<hbm>>
    tpu.wait_dma2 semaphore(%arg23 : memref<!tpu.dma_semaphore, #tpu.memory_space<semaphore_mem>>) src(%arg7 : memref<50x32xf32, #tpu.memory_space<vmem>>) dst(%dma_wait3A_26 : memref<50x32xf32, #tpu.memory_space<hbm>>)
    %add3A_27 = arith.constant 506 : i32
    %add3A_28 = arith.addi %mul3A_2, %add3A_27 : i32
    %dma_wait3A_29 = arith.constant 0 : i32
    %dma_wait3A_30 = arith.constant 0 : i32
    %dma_wait3A_31 = tpu.memref_slice %arg4[%add3A_28, %dma_wait3A_29, %dma_wait3A_30] : memref<16384x50x32xf32, #tpu.memory_space<hbm>> -> memref<1x50x32xf32, #tpu.memory_space<hbm>>
    %dma_wait3A_32 = tpu.memref_squeeze %dma_wait3A_31 : memref<1x50x32xf32, #tpu.memory_space<hbm>> -> memref<50x32xf32, #tpu.memory_space<hbm>>
    %dma_wait3A_33 = arith.constant 0 : i32
    %dma_wait3A_34 = arith.constant 0 : i32
    %dma_wait3A_35 = tpu.memref_slice %arg4[%add3A_28, %dma_wait3A_33, %dma_wait3A_34] : memref<16384x50x32xf32, #tpu.memory_space<hbm>> -> memref<1x50x32xf32, #tpu.memory_space<hbm>>
    %dma_wait3A_36 = tpu.memref_squeeze %dma_wait3A_35 : memref<1x50x32xf32, #tpu.memory_space<hbm>> -> memref<50x32xf32, #tpu.memory_space<hbm>>
    tpu.wait_dma2 semaphore(%arg24 : memref<!tpu.dma_semaphore, #tpu.memory_space<semaphore_mem>>) src(%arg8 : memref<50x32xf32, #tpu.memory_space<vmem>>) dst(%dma_wait3A_36 : memref<50x32xf32, #tpu.memory_space<hbm>>)
    %add3A_37 = arith.constant 507 : i32
    %add3A_38 = arith.addi %mul3A_2, %add3A_37 : i32
    %dma_wait3A_39 = arith.constant 0 : i32
    %dma_wait3A_40 = arith.constant 0 : i32
    %dma_wait3A_41 = tpu.memref_slice %arg4[%add3A_38, %dma_wait3A_39, %dma_wait3A_40] : memref<16384x50x32xf32, #tpu.memory_space<hbm>> -> memref<1x50x32xf32, #tpu.memory_space<hbm>>
    %dma_wait3A_42 = tpu.memref_squeeze %dma_wait3A_41 : memref<1x50x32xf32, #tpu.memory_space<hbm>> -> memref<50x32xf32, #tpu.memory_space<hbm>>
    %dma_wait3A_43 = arith.constant 0 : i32
    %dma_wait3A_44 = arith.constant 0 : i32
    %dma_wait3A_45 = tpu.memref_slice %arg4[%add3A_38, %dma_wait3A_43, %dma_wait3A_44] : memref<16384x50x32xf32, #tpu.memory_space<hbm>> -> memref<1x50x32xf32, #tpu.memory_space<hbm>>
    %dma_wait3A_46 = tpu.memref_squeeze %dma_wait3A_45 : memref<1x50x32xf32, #tpu.memory_space<hbm>> -> memref<50x32xf32, #tpu.memory_space<hbm>>
    tpu.wait_dma2 semaphore(%arg25 : memref<!tpu.dma_semaphore, #tpu.memory_space<semaphore_mem>>) src(%arg9 : memref<50x32xf32, #tpu.memory_space<vmem>>) dst(%dma_wait3A_46 : memref<50x32xf32, #tpu.memory_space<hbm>>)
    %add3A_47 = arith.constant 508 : i32
    %add3A_48 = arith.addi %mul3A_2, %add3A_47 : i32
    %dma_wait3A_49 = arith.constant 0 : i32
    %dma_wait3A_50 = arith.constant 0 : i32
    %dma_wait3A_51 = tpu.memref_slice %arg4[%add3A_48, %dma_wait3A_49, %dma_wait3A_50] : memref<16384x50x32xf32, #tpu.memory_space<hbm>> -> memref<1x50x32xf32, #tpu.memory_space<hbm>>
    %dma_wait3A_52 = tpu.memref_squeeze %dma_wait3A_51 : memref<1x50x32xf32, #tpu.memory_space<hbm>> -> memref<50x32xf32, #tpu.memory_space<hbm>>
    %dma_wait3A_53 = arith.constant 0 : i32
    %dma_wait3A_54 = arith.constant 0 : i32
    %dma_wait3A_55 = tpu.memref_slice %arg4[%add3A_48, %dma_wait3A_53, %dma_wait3A_54] : memref<16384x50x32xf32, #tpu.memory_space<hbm>> -> memref<1x50x32xf32, #tpu.memory_space<hbm>>
    %dma_wait3A_56 = tpu.memref_squeeze %dma_wait3A_55 : memref<1x50x32xf32, #tpu.memory_space<hbm>> -> memref<50x32xf32, #tpu.memory_space<hbm>>
    tpu.wait_dma2 semaphore(%arg26 : memref<!tpu.dma_semaphore, #tpu.memory_space<semaphore_mem>>) src(%arg10 : memref<50x32xf32, #tpu.memory_space<vmem>>) dst(%dma_wait3A_56 : memref<50x32xf32, #tpu.memory_space<hbm>>)
    %add3A_57 = arith.constant 509 : i32
    %add3A_58 = arith.addi %mul3A_2, %add3A_57 : i32
    %dma_wait3A_59 = arith.constant 0 : i32
    %dma_wait3A_60 = arith.constant 0 : i32
    %dma_wait3A_61 = tpu.memref_slice %arg4[%add3A_58, %dma_wait3A_59, %dma_wait3A_60] : memref<16384x50x32xf32, #tpu.memory_space<hbm>> -> memref<1x50x32xf32, #tpu.memory_space<hbm>>
    %dma_wait3A_62 = tpu.memref_squeeze %dma_wait3A_61 : memref<1x50x32xf32, #tpu.memory_space<hbm>> -> memref<50x32xf32, #tpu.memory_space<hbm>>
    %dma_wait3A_63 = arith.constant 0 : i32
    %dma_wait3A_64 = arith.constant 0 : i32
    %dma_wait3A_65 = tpu.memref_slice %arg4[%add3A_58, %dma_wait3A_63, %dma_wait3A_64] : memref<16384x50x32xf32, #tpu.memory_space<hbm>> -> memref<1x50x32xf32, #tpu.memory_space<hbm>>
    %dma_wait3A_66 = tpu.memref_squeeze %dma_wait3A_65 : memref<1x50x32xf32, #tpu.memory_space<hbm>> -> memref<50x32xf32, #tpu.memory_space<hbm>>
    tpu.wait_dma2 semaphore(%arg27 : memref<!tpu.dma_semaphore, #tpu.memory_space<semaphore_mem>>) src(%arg11 : memref<50x32xf32, #tpu.memory_space<vmem>>) dst(%dma_wait3A_66 : memref<50x32xf32, #tpu.memory_space<hbm>>)
    %add3A_67 = arith.constant 510 : i32
    %add3A_68 = arith.addi %mul3A_2, %add3A_67 : i32
    %dma_wait3A_69 = arith.constant 0 : i32
    %dma_wait3A_70 = arith.constant 0 : i32
    %dma_wait3A_71 = tpu.memref_slice %arg4[%add3A_68, %dma_wait3A_69, %dma_wait3A_70] : memref<16384x50x32xf32, #tpu.memory_space<hbm>> -> memref<1x50x32xf32, #tpu.memory_space<hbm>>
    %dma_wait3A_72 = tpu.memref_squeeze %dma_wait3A_71 : memref<1x50x32xf32, #tpu.memory_space<hbm>> -> memref<50x32xf32, #tpu.memory_space<hbm>>
    %dma_wait3A_73 = arith.constant 0 : i32
    %dma_wait3A_74 = arith.constant 0 : i32
    %dma_wait3A_75 = tpu.memref_slice %arg4[%add3A_68, %dma_wait3A_73, %dma_wait3A_74] : memref<16384x50x32xf32, #tpu.memory_space<hbm>> -> memref<1x50x32xf32, #tpu.memory_space<hbm>>
    %dma_wait3A_76 = tpu.memref_squeeze %dma_wait3A_75 : memref<1x50x32xf32, #tpu.memory_space<hbm>> -> memref<50x32xf32, #tpu.memory_space<hbm>>
    tpu.wait_dma2 semaphore(%arg28 : memref<!tpu.dma_semaphore, #tpu.memory_space<semaphore_mem>>) src(%arg12 : memref<50x32xf32, #tpu.memory_space<vmem>>) dst(%dma_wait3A_76 : memref<50x32xf32, #tpu.memory_space<hbm>>)
    %add3A_77 = arith.constant 511 : i32
    %add3A_78 = arith.addi %mul3A_2, %add3A_77 : i32
    %dma_wait3A_79 = arith.constant 0 : i32
    %dma_wait3A_80 = arith.constant 0 : i32
    %dma_wait3A_81 = tpu.memref_slice %arg4[%add3A_78, %dma_wait3A_79, %dma_wait3A_80] : memref<16384x50x32xf32, #tpu.memory_space<hbm>> -> memref<1x50x32xf32, #tpu.memory_space<hbm>>
    %dma_wait3A_82 = tpu.memref_squeeze %dma_wait3A_81 : memref<1x50x32xf32, #tpu.memory_space<hbm>> -> memref<50x32xf32, #tpu.memory_space<hbm>>
    %dma_wait3A_83 = arith.constant 0 : i32
    %dma_wait3A_84 = arith.constant 0 : i32
    %dma_wait3A_85 = tpu.memref_slice %arg4[%add3A_78, %dma_wait3A_83, %dma_wait3A_84] : memref<16384x50x32xf32, #tpu.memory_space<hbm>> -> memref<1x50x32xf32, #tpu.memory_space<hbm>>
    %dma_wait3A_86 = tpu.memref_squeeze %dma_wait3A_85 : memref<1x50x32xf32, #tpu.memory_space<hbm>> -> memref<50x32xf32, #tpu.memory_space<hbm>>
    tpu.wait_dma2 semaphore(%arg29 : memref<!tpu.dma_semaphore, #tpu.memory_space<semaphore_mem>>) src(%arg13 : memref<50x32xf32, #tpu.memory_space<vmem>>) dst(%dma_wait3A_86 : memref<50x32xf32, #tpu.memory_space<hbm>>)
    return
  }
}

</mosaic_0001>

<sc_bundles>
// kernel: kernel.3.cloned.1.call-start
scs
__scs_entry_jumppad:
0x0: {  	(pc) =	sbr.rel $0x88, $3  }
0x1: {  	(tag) =	ssettag $0x0;
	lr =	simm.s32 $0x1  }
0x2: {  	[smem:$0x3F9F] =	sst lr;
	_ =	strace $0xD0000000  }
0x3: {  	_ = 	snop  }
0x4: {  	_ = 	snop  }
0x5: {  	_ = 	snop  }
0x6: {  	_ = 	snop  }
0x7: {  	_ = 	snop  }
__scs_overlays_trampoline_lowered:
0x8: {  	[smem:$0x3FAE] =	sst s0  }
0x9: {  	[smem:$0x3FAF] =	sst s1  }
0xa: {  	[smem:$0x3FB0] =	sst s2  }
0xb: {  	[smem:$0x3FB1] =	sst s3  }
0xc: {  	[smem:$0x3FB2] =	sst s4  }
0xd: {  	[smem:$0x3FB3] =	sst s5  }
0xe: {  	[smem:$0x3FB4] =	sst s6  }
0xf: {  	[smem:$0x3FB5] =	sst s7  }
0x10: {  	[smem:$0x3FB6] =	sst s8  }
0x11: {  	[smem:$0x3FB7] =	sst s9;
	s0 =	simm.s32 @!p0 $0x0  }
0x12: {  	s1 =	sld [smem:$0x3F9D];
	s0 =	simm.s32 @p0 $0x1  }
0x13: {  	[smem:$0x3FB8] =	sst s0;
	s0 =	simm.s32 @!p1 $0x0  }
0x14: {  	s2 =	sld [smem:$0x3F9C];
	s0 =	simm.s32 @p1 $0x1  }
0x15: {  	[smem:$0x3FB9] =	sst s0;
	s0 =	simm.s32 @!p2 $0x0  }
0x16: {  	s3 =	sld [smem:$0x3FDB];
	s0 =	simm.s32 @p2 $0x1  }
0x17: {  	s4 =	simm.s32 $0x1BF5;
	[smem:$0x3FBB] =	sst s0  }
0x18: {  	s0 =	sld [smem:$0x3F9E];
	_ =	swait.ge [sflag:s4], $0x0  }
0x19: {  	s7 =	sld [smem:$0x3F9F]  }
0x1a: {  	s8 =	sadd.s32 $0xFFFFE003, lr  }
0x1b: {  	s9 =	sadd.s32 $0xFFFFFEF7, lr;
	s5 =	simm.s32 $0xFFFFFFFF;
	p2 =	slt.u32 s8, $0xFFFFF086  }
0x1c: {  	p1 =	slt.u32 s9, $0xF7A;
	s5 =	simm.s32 @!p2 $0x0  }
0x1d: {  	s5 =	simm.s32 @p1 $0x1;
	p0 =	seq.s32 s7, s2  }
0x1e: {  	s7 =	smul.u32 @!p0 $0xF7A, s2;
	p2 =	seq.s32 @!p0 s5, $0x0  }
0x1f: {  	s9 =	smul.u32 $0xF7A, s1;
	s8 =	simm.s32 @!p0 $0x1BF5;
	p2 =	por !p2, p0  }
0x20: {  	[sflag:s8] =	ssyncset.s32 @!p0 $0xFFFFF086;
	s6 =	sadd.s32 @!p0 s3, s7;
	s7 =	simm.s32 @!p0 $0x108  }
0x21: {  	s3 =	sadd.s32 s3, s9;
	s6 =	sadd.s32 @!p0 $0x88, s6;
	s7 =	simm.s32 @p2 $0x1082  }
0x22: {  	[simem:s7], [sflag:s8] =	dma.local @!p0 [hbm:s6], $0xF7A  }
0x23: {  	s9 =	sor.u32 $0xD0000000, s2;
	s6 =	simm.s32 $0x108;
	_ =	swait.ge @!p0 [sflag:s8], $0x0  }
0x24: {  	s3 =	sadd.s32 $0x88, s3;
	s6 =	simm.s32 @!p1 $0x1082;
	[sflag:s4] =	ssyncset.s32 $0xFFFFF086  }
0x25: {  	[simem:s6], [sflag:s4] =	dma.local [hbm:s3], $0xF7A  }
0x26: {  	[smem:$0x3F9F] =	sst s1;
	(tag) =	ssettag s2;
	_ =	strace s9  }
0x27: {  	s1 =	sld [smem:$0x3FAF]  }
0x28: {  	s2 =	sld [smem:$0x3FB0]  }
0x29: {  	s4 =	sld [smem:$0x3FB2]  }
0x2a: {  	p0 =	seq.s32 s5, $0x0;
	s5 =	sld [smem:$0x3FB3]  }
0x2b: {  	s6 =	sld [smem:$0x3FB4]  }
0x2c: {  	s7 =	sld [smem:$0x3FB5]  }
0x2d: {  	s3 =	simm.s32 $0x108;
	s8 =	sld [smem:$0x3FB6]  }
0x2e: {  	s3 =	simm.s32 @!p0 $0x1082;
	s9 =	sld [smem:$0x3FB7]  }
0x2f: {  	lr =	sadd.s32 s0, s3;
	s0 =	sld [smem:$0x3FAE]  }
0x30: {  	s3 =	sld [smem:$0x3FB1]  }
0x31: {  	[smem:$0x3FBA] =	sst s10  }
0x32: {  	s10 =	sld [smem:$0x3FB8];
	_ =	sdelay $0x3  }
0x33: {  	p0 =	seq.s32 s10, $0x1;
	s10 =	sld [smem:$0x3FBA];
	_ =	sdelay $0x3  }
0x34: {  	[smem:$0x3FBA] =	sst s10  }
0x35: {  	s10 =	sld [smem:$0x3FB9];
	_ =	sdelay $0x3  }
0x36: {  	p1 =	seq.s32 s10, $0x1;
	s10 =	sld [smem:$0x3FBA];
	_ =	sdelay $0x3  }
0x37: {  	[smem:$0x3FBA] =	sst s10  }
0x38: {  	s10 =	sld [smem:$0x3FBB]  }
0x39: {  	_ = 	snop;
	(pc) =	sbr.ind lr, $3  }
0x3a: {  	_ = 	snop  }
0x3b: {  	_ = 	snop  }
0x3c: {  	p2 =	seq.s32 s10, $0x1;
	s10 =	sld [smem:$0x3FBA]  }
0x3d: {  	_ =	shalt  }
0x3e: {  	_ =	shalt  }
0x3f: {  	_ =	shalt  }
0x40: {  	_ =	shalt  }
0x41: {  	_ =	shalt  }
0x42: {  	_ =	shalt  }
0x43: {  	_ =	shalt  }
0x44: {  	_ =	shalt  }
0x45: {  	_ =	shalt  }
0x46: {  	_ =	shalt  }
0x47: {  	_ =	shalt  }
0x48: {  	_ =	shalt  }
0x49: {  	_ =	shalt  }
0x4a: {  	_ =	shalt  }
0x4b: {  	_ =	shalt  }
0x4c: {  	_ =	shalt  }
0x4d: {  	_ =	shalt  }
0x4e: {  	_ =	shalt  }
0x4f: {  	_ =	shalt  }
0x50: {  	_ =	shalt  }
0x51: {  	_ =	shalt  }
0x52: {  	_ =	shalt  }
0x53: {  	_ =	shalt  }
0x54: {  	_ =	shalt  }
0x55: {  	_ =	shalt  }
0x56: {  	_ =	shalt  }
0x57: {  	_ =	shalt  }
0x58: {  	_ =	shalt  }
0x59: {  	_ =	shalt  }
0x5a: {  	_ =	shalt  }
0x5b: {  	_ =	shalt  }
0x5c: {  	_ =	shalt  }
0x5d: {  	_ =	shalt  }
0x5e: {  	_ =	shalt  }
0x5f: {  	_ =	shalt  }
0x60: {  	_ =	shalt  }
0x61: {  	_ =	shalt  }
0x62: {  	_ =	shalt  }
0x63: {  	_ =	shalt  }
0x64: {  	_ =	shalt  }
0x65: {  	_ =	shalt  }
0x66: {  	_ =	shalt  }
0x67: {  	_ =	shalt  }
0x68: {  	_ =	shalt  }
0x69: {  	_ =	shalt  }
0x6a: {  	_ =	shalt  }
0x6b: {  	_ =	shalt  }
0x6c: {  	_ =	shalt  }
0x6d: {  	_ =	shalt  }
0x6e: {  	_ =	shalt  }
0x6f: {  	_ =	shalt  }
0x70: {  	_ =	shalt  }
0x71: {  	_ =	shalt  }
0x72: {  	_ =	shalt  }
0x73: {  	_ =	shalt  }
0x74: {  	_ =	shalt  }
0x75: {  	_ =	shalt  }
0x76: {  	_ =	shalt  }
0x77: {  	_ =	shalt  }
0x78: {  	_ =	shalt  }
0x79: {  	_ =	shalt  }
0x7a: {  	_ =	shalt  }
0x7b: {  	_ =	shalt  }
0x7c: {  	_ =	shalt  }
0x7d: {  	_ =	shalt  }
0x7e: {  	_ =	shalt  }
0x7f: {  	_ =	shalt  }
0x80: {  	_ =	shalt  }
0x81: {  	_ =	shalt  }
0x82: {  	_ =	shalt  }
0x83: {  	_ =	shalt  }
0x84: {  	_ =	shalt  }
0x85: {  	_ =	shalt  }
0x86: {  	_ =	shalt  }
0x87: {  	_ =	shalt  }
.Lfunc_end0:
.L_simem_size_0:
called_computation.1_lowered:
.L_overlay_start_0:
0x88: {  	s2 =	sld [smem:$0x3FD9]  }
0x89: {  	s3 =	sld [smem:$0x3FFE];
	_ =	sdelay $0x1  }
0x8a: {  	s1 =	srdreg.scid  }
0x8b: {  	s0 =	sand.u32 $0x1, s1  }
0x8c: {  	s17 =	sshll.u32 s0, $0xA;
	s2 =	sadd.s32 s3, s2  }
0x8d: {  	s2 =	sadd.s32 s2, s17  }
0x8e: {  	[smem:$0x3FC6] =	sst s2  }
0x8f: {  	_ = 	snop  }
0x90: {  	s2 =	sld [smem:$0x3FD0];
	(tm) =	ssettm $0x1  }
0x91: {  	s18 =	sld [smem:$0x3FFB];
	_ =	sdelay $0x3  }
0x92: {  	_ =	strace s18  }
0x93: {  	s3 =	sld [smem:$0x3FFC];
	_ =	sdelay $0x3  }
0x94: {  	_ =	strace s3  }
0x95: {  	s3 =	sld [smem:$0x3FFD];
	_ =	sdelay $0x3  }
0x96: {  	_ =	strace s3  }
0x97: {  	_ =	strace $0x8FFFFFFF  }
0x98: {  	s19 =	sld [smem:$0x3FDB];
	_ =	sdelay $0x1  }
0x99: {  	s4 =	simm.s32 $_scs_section_size  }
0x9a: {  	s5 =	simm.s32 $_size__tile_overlayer_lowered;
	s6 =	simm.s32 $_tile_overlayer_lowered  }
0x9b: {  	s22 =	simm.s32 $0x1BFF;
	s21 =	sshll.u32 s6, $0x1;
	s3 =	sadd.s32 s4, s19  }
0x9c: {  	s7 =	simm.s32 $0x0;
	s20 =	sshll.u32 s5, $0x1;
	s5 =	sadd.s32 s21, s3  }
0x9d: {  	[timem:s7], [sflag:s22] =	dma.local [hbm:s5], s20  }
0x9e: {  	_ =	swait.ge [sflag:s22], s20  }
0x9f: {  	s4 =	ssub.s32 $0x0, s20;
	[sflag:s22] =	ssyncset.done $0x0  }
0xa0: {  	[sflag:s22] =	ssyncadd.s32 s4;
	_ =	sdelay $0x1  }
0xa1: {  	s23 =	simm.s32 $0x1B8B  }
0xa2: {  	_ =	swait.ge [sflag:s23], $0x1  }
0xa3: {  	[sflag:s23] =	ssyncset.done $0x0  }
0xa4: {  	s25 =	simm.s32 $0x1B8E;
	s24 =	sld [smem:$0x3FFE];
	[sflag:s23] =	ssyncadd.s32 $0xFFFFFFFF  }
0xa5: {  	s26 =	simm.s32 $execute0_lowered;
	[smem:$0x3FD2] =	sst s25  }
0xa6: {  	s5 =	sshll.u32 s26, $0x1;
	_ =	strace $0x80000046;
	[dreg:$0x1] =	wrdreg $0xFFFFFFFF  }
0xa7: {  	s28 =	simm.s32 $_size_execute0_lowered;
	s3 =	sadd.s32 s3, s5;
	[dreg:$0x0] =	wrdreg $0x0  }
0xa8: {  	s5 =	sshll.u32 s28, $0x1;
	[dreg:$0x2] =	wrdreg s3  }
0xa9: {  	[dreg:$0x3] =	wrdreg s5  }
0xaa: {  	[dreg:$0x4] =	wrdreg $0xC0  }
0xab: {  	_ =	task [dreg:s7], $0x5FFFF  }
0xac: {  	[dreg:$0x1] =	wrdreg $0xFFFFFFFF  }
0xad: {  	[dreg:$0x0] =	wrdreg $0x60  }
0xae: {  	[dreg:$0x2] =	wrdreg s24  }
0xaf: {  	[dreg:$0x3] =	wrdreg s2  }
0xb0: {  	[dreg:$0x4] =	wrdreg $0x9  }
0xb1: {  	_ =	task.clear_ibuf [dreg:s7], $0x5FFFF;
	_ =	strace $0x90000046  }
0xb2: {  	s29 =	simm.s32 $0x9;
	_ =	strace $0x80000048  }
0xb3: {  	_ =	swait.ge [sflag:s29], $0x1  }
0xb4: {  	[sflag:s29] =	ssyncadd.s32 $0xFFFFFFFF  }
0xb5: {  	_ =	strace $0x90000048  }
0xb6: {  	_ =	sfence  }
0xb7: {  	s30 =	sld [smem:$0x0];
	_ =	sdelay $0x2  }
0xb8: {  	s31 =	sshll.u32 s1, $0xD;
	s1 =	sshrl.u32 s1, $0x2  }
0xb9: {  	s3 =	sand.u32 $0x4000, s31;
	s1 =	sadd.s32 s1, s30  }
0xba: {  	s0 =	sor.u32 s3, s0;
	s1 =	sshll.u32 s1, $0x11  }
0xbb: {  	s0 =	sor.u32 s1, s0  }
0xbc: {  	s0 =	sadd.s32 $0x8F2B, s0  }
0xbd: {  	[sflag:s0] =	ssyncadd.remote.s32 $0x1  }
0xbe: {  	_ =	sfence.sel $0xFFFF  }
0xbf: {  	[dreg:$0x0] =	wrdreg $0xFFFFFFFF;
	(pc) =	sbr.abs _section_cstart, $3  }
0xc0: {  	[dreg:$0x1] =	wrdreg $0xFFFFFFFF  }
0xc1: {  	_ =	task.clear_ibuf [dreg:s7], $0x2FFFF;
	_ =	strace $0x9FFFFFFF  }
0xc2: {  	(tm) =	ssettm $0x7FFFFFFF  }
0xc3: {  	_ =	shalt  }
tec
execute0_lowered:
.L_overlay_start_1:
0x0: {  	(tag) =	ssettag $0x1  }
0x1: {  	s0 =	srdreg.scid  }
0x2: {  	s1 =	rddreg [dreg:$0x0];
	s9 =	stileid.u32  }
0x3: {  	s2 =	rddreg [dreg:$0x1];
	s3 =	simm.s32 $0x0;
	s22 =	simm.s32 $0x32  }
0x4: {  	s10 =	simm.s32 $0x9BC0;
	s23 =	simm.s32 $0x7000;
	s11 =	simm.s32 $0x1  }
0x5: {  	s24 =	simm.s32 $0x7640;
	s12 =	simm.s32 $0x2;
	s25 =	simm.s32 $0x7C80  }
0x6: {  	s13 =	simm.s32 $0x3;
	s26 =	simm.s32 $0x82C0;
	s14 =	simm.s32 $0x4  }
0x7: {  	s29 =	simm.s32 $0x8900;
	s15 =	simm.s32 $0x5;
	[smem:$0x7FF] =	sst s3  }
0x8: {  	s30 =	simm.s32 $0x8F40;
	_ =	strace $0x80000047;
	[dreg:$0x3] =	wrdreg s22  }
0x9: {  	s16 =	simm.s32 $0x6;
	s31 =	simm.s32 $0x9580;
	[dreg:$0x4] =	wrdreg s23  }
0xa: {  	s17 =	simm.s32 $0x7;
	s18 =	simm.s32 $0x8;
	[dreg:$0x5] =	wrdreg s24  }
0xb: {  	s0 =	sand.u32 $0x1, s0;
	s4 =	sshll.u32 s9, $0xA;
	[dreg:$0x6] =	wrdreg s25  }
0xc: {  	s9 =	smul.u32 $0x32000, s9;
	s5 =	sshll.u32 s0, $0x9;
	[dreg:$0x7] =	wrdreg s26  }
0xd: {  	s6 =	ssub.s32 $0x2, s0;
	[dreg:$0x8] =	wrdreg s29;
	s4 =	sor.u32 s5, s4  }
0xe: {  	[dreg:$0x9] =	wrdreg s30;
	s8 =	sshrl.u32 s6, $0x1;
	s5 =	smul.u32 $0x7, s4  }
0xf: {  	s0 =	smul.u32 $0x19000, s0;
	[dreg:$0xa] =	wrdreg s31;
	s19 =	ssub.s32 s6, s8  }
0x10: {  	s7 =	sadd.s32 s5, s1;
	s5 =	sadd.s32 $0xF42E00, s1;
	s1 =	smax.u32 s19, $0x1  }
0x11: {  	s21 =	sadd.s32 s9, s2;
	s20 =	sadd.s32 $0xA00, s7;
	[dreg:$0xc] =	wrdreg s1  }
0x12: {  	s28 =	simm.s32 $0x0;
	s8 =	sadd.s32 s0, s21;
	[dreg:$0xb] =	wrdreg s20  }
.LBB2_1:
0x13: {  	s0 =	rddreg [dreg:$0xb];
	s22 =	simm.s32 $0x11  }
0x14: {  	[tilespmem:s3], [sflag:$0x11] =	stream.linear.gather [hbm4b:s0+s3], $0x7000, $0x38;
	[tilespmem:$0xA200] =	vst v63  }
0x15: {  	_ =	swait.ge [sflag:s22], $0x7000  }
0x16: {  	p0 =	por $0x0, $0x0;
	[sflag:s22] =	ssyncset.done $0x0  }
0x17: {  	s0 =	simm.s32 @p0 $0x9;
	[sflag:s22] =	ssyncadd.s32 $0xFFFF9000  }
0x18: {  	_ =	swait.ge @p0 [sflag:s0], $0x640  }
0x19: {  	s1 =	simm.s32 @p0 $0x32;
	[sflag:s0] =	ssyncset.done @p0 $0x0  }
0x1a: {  	s6 =	simm.s32 @p0 $0x7000;
	[sflag:s0] =	ssyncadd.s32 @p0 $0xFFFFF9C0;
	s0 =	simm.s32 @p0 $0xA  }
0x1b: {  	[tilespmem:s6], [sflag:$0x1] =	stream.indirect.gather @p0 [hbm4b:s5+s1], $0x20, s3, s1, $0xb8;
	[tilespmem:$0xA200] =	vst v63  }
0x1c: {  	_ =	swait.ge @p0 [sflag:s0], $0x640  }
0x1d: {  	s7 =	simm.s32 @p0 $0x7640;
	[sflag:s0] =	ssyncset.done @p0 $0x0  }
0x1e: {  	s6 =	simm.s32 @p0 $0x38;
	[sflag:s0] =	ssyncadd.s32 @p0 $0xFFFFF9C0;
	s0 =	simm.s32 @p0 $0xB  }
0x1f: {  	[tilespmem:s7], [sflag:$0x2] =	stream.indirect.gather @p0 [hbm4b:s5+s1], $0x20, s6, s1, $0xb8;
	[tilespmem:$0xA200] =	vst v63  }
0x20: {  	_ =	swait.ge @p0 [sflag:s0], $0x640  }
0x21: {  	s6 =	simm.s32 @p0 $0x70;
	[sflag:s0] =	ssyncset.done @p0 $0x0  }
0x22: {  	s7 =	simm.s32 @p0 $0x7C80;
	[sflag:s0] =	ssyncadd.s32 @p0 $0xFFFFF9C0;
	s0 =	simm.s32 @p0 $0xC  }
0x23: {  	[tilespmem:s7], [sflag:$0x3] =	stream.indirect.gather @p0 [hbm4b:s5+s1], $0x20, s6, s1, $0xb8;
	[tilespmem:$0xA200] =	vst v63  }
0x24: {  	_ =	swait.ge @p0 [sflag:s0], $0x640  }
0x25: {  	s6 =	simm.s32 @p0 $0xA8;
	[sflag:s0] =	ssyncset.done @p0 $0x0  }
0x26: {  	s7 =	simm.s32 @p0 $0x82C0;
	[sflag:s0] =	ssyncadd.s32 @p0 $0xFFFFF9C0;
	s0 =	simm.s32 @p0 $0xD  }
0x27: {  	[tilespmem:s7], [sflag:$0x4] =	stream.indirect.gather @p0 [hbm4b:s5+s1], $0x20, s6, s1, $0xb8;
	[tilespmem:$0xA200] =	vst v63  }
0x28: {  	_ =	swait.ge @p0 [sflag:s0], $0x640  }
0x29: {  	s6 =	simm.s32 @p0 $0xE0;
	[sflag:s0] =	ssyncset.done @p0 $0x0  }
0x2a: {  	s7 =	simm.s32 @p0 $0x8900;
	[sflag:s0] =	ssyncadd.s32 @p0 $0xFFFFF9C0;
	s0 =	simm.s32 @p0 $0xE  }
0x2b: {  	[tilespmem:s7], [sflag:$0x5] =	stream.indirect.gather @p0 [hbm4b:s5+s1], $0x20, s6, s1, $0xb8;
	[tilespmem:$0xA200] =	vst v63  }
0x2c: {  	_ =	swait.ge @p0 [sflag:s0], $0x640  }
0x2d: {  	s6 =	simm.s32 @p0 $0x118;
	[sflag:s0] =	ssyncset.done @p0 $0x0  }
0x2e: {  	s7 =	simm.s32 @p0 $0x8F40;
	[sflag:s0] =	ssyncadd.s32 @p0 $0xFFFFF9C0;
	s0 =	simm.s32 @p0 $0xF  }
0x2f: {  	[tilespmem:s7], [sflag:$0x6] =	stream.indirect.gather @p0 [hbm4b:s5+s1], $0x20, s6, s1, $0xb8;
	[tilespmem:$0xA200] =	vst v63  }
0x30: {  	_ =	swait.ge @p0 [sflag:s0], $0x640  }
0x31: {  	s6 =	simm.s32 @p0 $0x150;
	[sflag:s0] =	ssyncset.done @p0 $0x0  }
0x32: {  	s7 =	simm.s32 @p0 $0x9580;
	[sflag:s0] =	ssyncadd.s32 @p0 $0xFFFFF9C0;
	s0 =	simm.s32 @p0 $0x10  }
0x33: {  	[tilespmem:s7], [sflag:$0x7] =	stream.indirect.gather @p0 [hbm4b:s5+s1], $0x20, s6, s1, $0xb8;
	[tilespmem:$0xA200] =	vst v63  }
0x34: {  	_ =	swait.ge @p0 [sflag:s0], $0x640  }
0x35: {  	s1 =	simm.s32 @!p0 $0x32;
	[sflag:s0] =	ssyncset.done @p0 $0x0  }
0x36: {  	s6 =	simm.s32 @!p0 $0x0;
	[sflag:s0] =	ssyncadd.s32 @p0 $0xFFFFF9C0;
	s0 =	simm.s32 @!p0 $0x7000  }
0x37: {  	[tilespmem:s0], [sflag:$0x1] =	stream.indirect.gather @!p0 [hbm4b:s5+s1], $0x20, s6, s1, $0xb8;
	[tilespmem:$0xA200] =	vst v63  }
0x38: {  	s0 =	simm.s32 @!p0 $0x38;
	s6 =	simm.s32 @!p0 $0x7640  }
0x39: {  	[tilespmem:s6], [sflag:$0x2] =	stream.indirect.gather @!p0 [hbm4b:s5+s1], $0x20, s0, s1, $0xb8;
	[tilespmem:$0xA200] =	vst v63  }
0x3a: {  	s0 =	simm.s32 @!p0 $0x70;
	s6 =	simm.s32 @!p0 $0x7C80  }
0x3b: {  	[tilespmem:s6], [sflag:$0x3] =	stream.indirect.gather @!p0 [hbm4b:s5+s1], $0x20, s0, s1, $0xb8;
	[tilespmem:$0xA200] =	vst v63  }
0x3c: {  	s7 =	simm.s32 @!p0 $0x82C0;
	s0 =	simm.s32 @!p0 $0xA8  }
0x3d: {  	[tilespmem:s7], [sflag:$0x4] =	stream.indirect.gather @!p0 [hbm4b:s5+s1], $0x20, s0, s1, $0xb8;
	[tilespmem:$0xA200] =	vst v63  }
0x3e: {  	s9 =	simm.s32 @!p0 $0x8900;
	s7 =	simm.s32 @!p0 $0xE0;
	s0 =	simm.s32 $0x7  }
0x3f: {  	[tilespmem:s9], [sflag:$0x5] =	stream.indirect.gather @!p0 [hbm4b:s5+s1], $0x20, s7, s1, $0xb8;
	[tilespmem:$0xA200] =	vst v63  }
0x40: {  	s0 =	simm.s32 @!p0 $0x7;
	s7 =	simm.s32 @!p0 $0x8F40;
	s9 =	simm.s32 @!p0 $0x118  }
0x41: {  	[tilespmem:s7], [sflag:$0x6] =	stream.indirect.gather @!p0 [hbm4b:s5+s1], $0x20, s9, s1, $0xb8;
	[tilespmem:$0xA200] =	vst v63  }
0x42: {  	s6 =	simm.s32 @!p0 $0x150;
	s19 =	smul.u32 $0xE0, s0;
	s9 =	simm.s32 @!p0 $0x9580  }
0x43: {  	[tilespmem:s9], [sflag:$0x7] =	stream.indirect.gather @!p0 [hbm4b:s5+s1], $0x20, s6, s1, $0xb8;
	[tilespmem:$0xA200] =	vst v63  }
0x44: {  	s23 =	rddreg [dreg:$0x3];
	s24 =	sshra.s32 s19, $0x2  }
0x45: {  	[tilespmem:s10], [sflag:$0x8] =	stream.indirect.gather [hbm4b:s5+s23], $0x20, s24, s23, $0xb8;
	[tilespmem:$0xA200] =	vst v63  }
0x46: {  	s6 =	simm.s32 @p0 $0x1;
	_ =	swait.ge [sflag:s11], $0x640  }
0x47: {  	s7 =	simm.s32 @p0 $0x2;
	s6 =	simm.s32 @!p0 $0x1;
	[sflag:s11] =	ssyncset.done $0x0  }
0x48: {  	s26 =	sadd.s32 s4, s6;
	s25 =	rddreg [dreg:$0x4];
	[sflag:s11] =	ssyncadd.s32 $0xFFFFF9C0  }
0x49: {  	[hbm4b:s8+s3] =	stream.linear.scatter [tilespmem:s25], [sflag:$0x9], $0x640, $0x38;
	[tilespmem:$0xA200] =	vst v63  }
0x4a: {  	s7 =	simm.s32 @!p0 $0x2;
	s1 =	smul.u32 $0xC8, s26;
	_ =	swait.ge [sflag:s12], $0x640  }
0x4b: {  	s9 =	sadd.s32 s4, s7;
	s7 =	simm.s32 @p0 $0x3;
	[sflag:s12] =	ssyncset.done $0x0  }
0x4c: {  	s1 =	sadd.s32 s2, s1;
	s29 =	rddreg [dreg:$0x5];
	[sflag:s12] =	ssyncadd.s32 $0xFFFFF9C0  }
0x4d: {  	[hbm4b:s1+s3] =	stream.linear.scatter [tilespmem:s29], [sflag:$0xA], $0x640, $0x38;
	[tilespmem:$0xA200] =	vst v63  }
0x4e: {  	s7 =	simm.s32 @!p0 $0x3;
	s1 =	smul.u32 $0xC8, s9;
	_ =	swait.ge [sflag:s13], $0x640  }
0x4f: {  	s20 =	sadd.s32 s4, s7;
	s7 =	simm.s32 @p0 $0x4;
	[sflag:s13] =	ssyncset.done $0x0  }
0x50: {  	s19 =	rddreg [dreg:$0x6];
	s1 =	sadd.s32 s2, s1;
	[sflag:s13] =	ssyncadd.s32 $0xFFFFF9C0  }
0x51: {  	[hbm4b:s1+s3] =	stream.linear.scatter [tilespmem:s19], [sflag:$0xB], $0x640, $0x38;
	[tilespmem:$0xA200] =	vst v63  }
0x52: {  	s7 =	simm.s32 @!p0 $0x4;
	s1 =	smul.u32 $0xC8, s20;
	_ =	swait.ge [sflag:s14], $0x640  }
0x53: {  	s22 =	sadd.s32 s4, s7;
	s7 =	simm.s32 @p0 $0x5;
	[sflag:s14] =	ssyncset.done $0x0  }
0x54: {  	s21 =	rddreg [dreg:$0x7];
	s1 =	sadd.s32 s2, s1;
	[sflag:s14] =	ssyncadd.s32 $0xFFFFF9C0  }
0x55: {  	[hbm4b:s1+s3] =	stream.linear.scatter [tilespmem:s21], [sflag:$0xC], $0x640, $0x38;
	[tilespmem:$0xA200] =	vst v63  }
0x56: {  	s7 =	simm.s32 @!p0 $0x5;
	s1 =	smul.u32 $0xC8, s22;
	_ =	swait.ge [sflag:s15], $0x640  }
0x57: {  	s24 =	sadd.s32 s4, s7;
	s7 =	simm.s32 @p0 $0x6;
	[sflag:s15] =	ssyncset.done $0x0  }
0x58: {  	s23 =	rddreg [dreg:$0x8];
	s1 =	sadd.s32 s2, s1;
	[sflag:s15] =	ssyncadd.s32 $0xFFFFF9C0  }
0x59: {  	[hbm4b:s1+s3] =	stream.linear.scatter [tilespmem:s23], [sflag:$0xD], $0x640, $0x38;
	[tilespmem:$0xA200] =	vst v63  }
0x5a: {  	s7 =	simm.s32 @!p0 $0x6;
	s1 =	smul.u32 $0xC8, s24;
	_ =	swait.ge [sflag:s16], $0x640  }
0x5b: {  	s30 =	sadd.s32 $0x640, s8;
	s26 =	sadd.s32 s4, s7;
	[sflag:s16] =	ssyncset.done $0x0  }
0x5c: {  	s25 =	rddreg [dreg:$0x9];
	s1 =	sadd.s32 s2, s1;
	[sflag:s16] =	ssyncadd.s32 $0xFFFFF9C0  }
0x5d: {  	[hbm4b:s1+s3] =	stream.linear.scatter [tilespmem:s25], [sflag:$0xE], $0x640, $0x38;
	[tilespmem:$0xA200] =	vst v63  }
0x5e: {  	s0 =	sadd.s32 s4, s0;
	s1 =	smul.u32 $0xC8, s26;
	_ =	swait.ge [sflag:s17], $0x640  }
0x5f: {  	s31 =	simm.s32 $0x1C0;
	s0 =	smul.u32 $0xC8, s0;
	[sflag:s17] =	ssyncset.done $0x0  }
0x60: {  	s29 =	rddreg [dreg:$0xa];
	s1 =	sadd.s32 s2, s1;
	[sflag:s17] =	ssyncadd.s32 $0xFFFFF9C0  }
0x61: {  	[hbm4b:s1+s3] =	stream.linear.scatter [tilespmem:s29], [sflag:$0xF], $0x640, $0x38;
	[tilespmem:$0xA200] =	vst v63  }
0x62: {  	p0 =	por $0x1, $0x1;
	s25 =	simm.s32 $0xF;
	s1 =	simm.s32 $0x17  }
.LBB2_2:
0x63: {  	_ =	swait.ge [sflag:s18], $0x640  }
0x64: {  	s6 =	simm.s32 @p0 $0x9;
	s9 =	sadd.s32 @p0 $0xFFFFFFFC, s25;
	[sflag:s18] =	ssyncset.done $0x0  }
0x65: {  	s19 =	sadd.s32 @p0 $0xFFFFFFFD, s25;
	s0 =	sadd.s32 s2, s0;
	[sflag:s18] =	ssyncadd.s32 $0xFFFFF9C0  }
0x66: {  	[hbm4b:s0+s3] =	stream.linear.scatter [tilespmem:s10], [sflag:$0x10], $0x640, $0x38;
	[tilespmem:$0xA200] =	vst v63  }
0x67: {  	s20 =	simm.s32 @p0 $0x32;
	s9 =	simm.s32 @!p0 $0x3;
	_ =	swait.ge @p0 [sflag:s6], $0x640  }
0x68: {  	s21 =	simm.s32 @p0 $0x7000;
	s9 =	sadd.s32 s4, s9;
	[sflag:s6] =	ssyncset.done @p0 $0x0  }
0x69: {  	s0 =	smul.u32 $0xC8, s9;
	s9 =	simm.s32 @p0 $0xA;
	[sflag:s6] =	ssyncadd.s32 @p0 $0xFFFFF9C0  }
0x6a: {  	[tilespmem:s21], [sflag:$0x1] =	stream.indirect.gather @p0 [hbm4b:s5+s20], $0x20, s31, s20, $0xb8;
	[tilespmem:$0xA200] =	vst v63  }
0x6b: {  	s19 =	simm.s32 @!p0 $0x4;
	_ =	swait.ge @p0 [sflag:s9], $0x640  }
0x6c: {  	s26 =	sadd.s32 s4, s19;
	s19 =	sadd.s32 @p0 $0x38, s31;
	[sflag:s9] =	ssyncset.done @p0 $0x0  }
0x6d: {  	s21 =	simm.s32 @p0 $0x7640;
	[sflag:s9] =	ssyncadd.s32 @p0 $0xFFFFF9C0;
	s9 =	simm.s32 @p0 $0xB  }
0x6e: {  	[tilespmem:s21], [sflag:$0x2] =	stream.indirect.gather @p0 [hbm4b:s5+s20], $0x20, s19, s20, $0xb8;
	[tilespmem:$0xA200] =	vst v63  }
0x6f: {  	s22 =	sadd.s32 @p0 $0xFFFFFFFE, s25;
	_ =	swait.ge @p0 [sflag:s9], $0x640  }
0x70: {  	s24 =	simm.s32 @p0 $0xC;
	s22 =	simm.s32 @!p0 $0x5;
	[sflag:s9] =	ssyncset.done @p0 $0x0  }
0x71: {  	s19 =	sadd.s32 @p0 $0x70, s31;
	s21 =	simm.s32 @p0 $0x7C80;
	[sflag:s9] =	ssyncadd.s32 @p0 $0xFFFFF9C0  }
0x72: {  	[tilespmem:s21], [sflag:$0x3] =	stream.indirect.gather @p0 [hbm4b:s5+s20], $0x20, s19, s20, $0xb8;
	[tilespmem:$0xA200] =	vst v63  }
0x73: {  	s22 =	sadd.s32 s4, s22;
	_ =	swait.ge @p0 [sflag:s24], $0x640  }
0x74: {  	s9 =	smul.u32 $0xC8, s22;
	s22 =	simm.s32 @p0 $0xD;
	[sflag:s24] =	ssyncset.done @p0 $0x0  }
0x75: {  	s19 =	sadd.s32 @p0 $0xA8, s31;
	s21 =	simm.s32 @p0 $0x82C0;
	[sflag:s24] =	ssyncadd.s32 @p0 $0xFFFFF9C0  }
0x76: {  	[tilespmem:s21], [sflag:$0x4] =	stream.indirect.gather @p0 [hbm4b:s5+s20], $0x20, s19, s20, $0xb8;
	[tilespmem:$0xA200] =	vst v63  }
0x77: {  	s23 =	sadd.s32 @p0 $0xFFFFFFFF, s25;
	_ =	swait.ge @p0 [sflag:s22], $0x640  }
0x78: {  	s23 =	simm.s32 @!p0 $0x6;
	s24 =	simm.s32 @p0 $0x8900;
	[sflag:s22] =	ssyncset.done @p0 $0x0  }
0x79: {  	s21 =	sadd.s32 @p0 $0xE0, s31;
	[sflag:s22] =	ssyncadd.s32 @p0 $0xFFFFF9C0;
	s22 =	simm.s32 @p0 $0xE  }
0x7a: {  	[tilespmem:s24], [sflag:$0x5] =	stream.indirect.gather @p0 [hbm4b:s5+s20], $0x20, s21, s20, $0xb8;
	[tilespmem:$0xA200] =	vst v63  }
0x7b: {  	s23 =	sadd.s32 s4, s23;
	_ =	swait.ge @p0 [sflag:s22], $0x640  }
0x7c: {  	s19 =	smul.u32 $0xC8, s23;
	s23 =	simm.s32 @p0 $0x8F40;
	[sflag:s22] =	ssyncset.done @p0 $0x0  }
0x7d: {  	s21 =	sadd.s32 @p0 $0x118, s31;
	[sflag:s22] =	ssyncadd.s32 @p0 $0xFFFFF9C0;
	s22 =	simm.s32 @p0 $0xF  }
0x7e: {  	[tilespmem:s23], [sflag:$0x6] =	stream.indirect.gather @p0 [hbm4b:s5+s20], $0x20, s21, s20, $0xb8;
	[tilespmem:$0xA200] =	vst v63  }
0x7f: {  	_ =	swait.ge @p0 [sflag:s22], $0x640  }
0x80: {  	s21 =	sadd.s32 @p0 $0x150, s31;
	[sflag:s22] =	ssyncset.done @p0 $0x0  }
0x81: {  	s23 =	simm.s32 @p0 $0x9580;
	[sflag:s22] =	ssyncadd.s32 @p0 $0xFFFFF9C0;
	s22 =	simm.s32 @p0 $0x10  }
0x82: {  	[tilespmem:s23], [sflag:$0x7] =	stream.indirect.gather @p0 [hbm4b:s5+s20], $0x20, s21, s20, $0xb8;
	[tilespmem:$0xA200] =	vst v63  }
0x83: {  	_ =	swait.ge @p0 [sflag:s22], $0x640  }
0x84: {  	s21 =	simm.s32 @!p0 $0x32;
	[sflag:s22] =	ssyncset.done @p0 $0x0  }
0x85: {  	s20 =	simm.s32 @!p0 $0x0;
	[sflag:s22] =	ssyncadd.s32 @p0 $0xFFFFF9C0;
	s22 =	simm.s32 @!p0 $0x7000  }
0x86: {  	[tilespmem:s22], [sflag:$0x1] =	stream.indirect.gather @!p0 [hbm4b:s5+s21], $0x20, s20, s21, $0xb8;
	[tilespmem:$0xA200] =	vst v63  }
0x87: {  	s20 =	simm.s32 @!p0 $0x38;
	s22 =	simm.s32 @!p0 $0x7640  }
0x88: {  	[tilespmem:s22], [sflag:$0x2] =	stream.indirect.gather @!p0 [hbm4b:s5+s21], $0x20, s20, s21, $0xb8;
	[tilespmem:$0xA200] =	vst v63  }
0x89: {  	s29 =	smov.u32 s25;
	s20 =	simm.s32 @!p0 $0x70;
	s22 =	simm.s32 @!p0 $0x7C80  }
0x8a: {  	[tilespmem:s22], [sflag:$0x3] =	stream.indirect.gather @!p0 [hbm4b:s5+s21], $0x20, s20, s21, $0xb8;
	[tilespmem:$0xA200] =	vst v63  }
0x8b: {  	s29 =	simm.s32 @!p0 $0x7;
	s20 =	simm.s32 @!p0 $0xA8;
	s22 =	simm.s32 @!p0 $0x82C0  }
0x8c: {  	[tilespmem:s22], [sflag:$0x4] =	stream.indirect.gather @!p0 [hbm4b:s5+s21], $0x20, s20, s21, $0xb8;
	[tilespmem:$0xA200] =	vst v63  }
0x8d: {  	s6 =	smul.u32 $0xC8, s26;
	s20 =	simm.s32 @!p0 $0xE0;
	s22 =	simm.s32 @!p0 $0x8900  }
0x8e: {  	[tilespmem:s22], [sflag:$0x5] =	stream.indirect.gather @!p0 [hbm4b:s5+s21], $0x20, s20, s21, $0xb8;
	[tilespmem:$0xA200] =	vst v63  }
0x8f: {  	s24 =	simm.s32 @!p0 $0x8F40;
	s23 =	simm.s32 @!p0 $0x150;
	s22 =	simm.s32 @!p0 $0x118  }
0x90: {  	[tilespmem:s24], [sflag:$0x6] =	stream.indirect.gather @!p0 [hbm4b:s5+s21], $0x20, s22, s21, $0xb8;
	[tilespmem:$0xA200] =	vst v63  }
0x91: {  	s20 =	sadd.s32 s4, s29;
	s29 =	smul.u32 $0xE0, s29;
	s22 =	simm.s32 @!p0 $0x9580  }
0x92: {  	[tilespmem:s22], [sflag:$0x7] =	stream.indirect.gather @!p0 [hbm4b:s5+s21], $0x20, s23, s21, $0xb8;
	[tilespmem:$0xA200] =	vst v63  }
0x93: {  	s26 =	rddreg [dreg:$0x3];
	s22 =	sshra.s32 s29, $0x2;
	s21 =	sadd.s32 @p0 $0xFFFFFFFA, s25  }
0x94: {  	[tilespmem:s10], [sflag:$0x8] =	stream.indirect.gather [hbm4b:s5+s26], $0x20, s22, s26, $0xb8;
	[tilespmem:$0xA200] =	vst v63  }
0x95: {  	s21 =	simm.s32 @!p0 $0x1;
	_ =	swait.ge [sflag:s11], $0x640  }
0x96: {  	s21 =	sadd.s32 s4, s21;
	[sflag:s11] =	ssyncset.done $0x0  }
0x97: {  	s22 =	sadd.s32 @p0 $0xFFFFFFFB, s25;
	s23 =	rddreg [dreg:$0x4];
	[sflag:s11] =	ssyncadd.s32 $0xFFFFF9C0  }
0x98: {  	[hbm4b:s30+s3] =	stream.linear.scatter [tilespmem:s23], [sflag:$0x9], $0x640, $0x38;
	[tilespmem:$0xA200] =	vst v63  }
0x99: {  	s21 =	smul.u32 $0xC8, s21;
	s22 =	simm.s32 @!p0 $0x2;
	_ =	swait.ge [sflag:s12], $0x640  }
0x9a: {  	s22 =	sadd.s32 s4, s22;
	[sflag:s12] =	ssyncset.done $0x0  }
0x9b: {  	s21 =	sadd.s32 s2, s21;
	s24 =	rddreg [dreg:$0x5];
	[sflag:s12] =	ssyncadd.s32 $0xFFFFF9C0  }
0x9c: {  	[hbm4b:s21+s3] =	stream.linear.scatter [tilespmem:s24], [sflag:$0xA], $0x640, $0x38;
	[tilespmem:$0xA200] =	vst v63  }
0x9d: {  	s7 =	smov.u32 s1;
	s26 =	smul.u32 $0xC8, s22;
	_ =	swait.ge [sflag:s13], $0x640  }
0x9e: {  	s25 =	smov.u32 s7;
	[sflag:s13] =	ssyncset.done $0x0  }
0x9f: {  	s7 =	sadd.s32 s2, s26;
	s29 =	rddreg [dreg:$0x6];
	[sflag:s13] =	ssyncadd.s32 $0xFFFFF9C0  }
0xa0: {  	[hbm4b:s7+s3] =	stream.linear.scatter [tilespmem:s29], [sflag:$0xB], $0x640, $0x38;
	[tilespmem:$0xA200] =	vst v63  }
0xa1: {  	_ =	swait.ge [sflag:s14], $0x640  }
0xa2: {  	[sflag:s14] =	ssyncset.done $0x0  }
0xa3: {  	s0 =	sadd.s32 s2, s0;
	s21 =	rddreg [dreg:$0x7];
	[sflag:s14] =	ssyncadd.s32 $0xFFFFF9C0  }
0xa4: {  	[hbm4b:s0+s3] =	stream.linear.scatter [tilespmem:s21], [sflag:$0xC], $0x640, $0x38;
	[tilespmem:$0xA200] =	vst v63  }
0xa5: {  	_ =	swait.ge [sflag:s15], $0x640  }
0xa6: {  	[sflag:s15] =	ssyncset.done $0x0  }
0xa7: {  	s6 =	sadd.s32 s2, s6;
	s22 =	rddreg [dreg:$0x8];
	[sflag:s15] =	ssyncadd.s32 $0xFFFFF9C0  }
0xa8: {  	[hbm4b:s6+s3] =	stream.linear.scatter [tilespmem:s22], [sflag:$0xD], $0x640, $0x38;
	[tilespmem:$0xA200] =	vst v63  }
0xa9: {  	s1 =	sadd.s32 $0x8, s1;
	_ =	swait.ge [sflag:s16], $0x640  }
0xaa: {  	p1 =	sne.s32 s1, $0x207;
	[sflag:s16] =	ssyncset.done $0x0  }
0xab: {  	s24 =	sadd.s32 s2, s9;
	s23 =	rddreg [dreg:$0x9];
	[sflag:s16] =	ssyncadd.s32 $0xFFFFF9C0  }
0xac: {  	[hbm4b:s24+s3] =	stream.linear.scatter [tilespmem:s23], [sflag:$0xE], $0x640, $0x38;
	[tilespmem:$0xA200] =	vst v63  }
.Ltmp0:
0xad: {  	_ = 	snop;
	(pc) =	sbr.rel @p1 .LBB2_2-.Ltmp0, $4  }
0xae: {  	s31 =	sadd.s32 $0x1C0, s31;
	p0 =	sne.s32 s25, $0x7;
	_ =	swait.ge [sflag:s17], $0x640  }
0xaf: {  	s30 =	sadd.s32 $0x640, s30;
	s29 =	sadd.s32 s2, s19;
	[sflag:s17] =	ssyncset.done $0x0  }
0xb0: {  	s0 =	smul.u32 $0xC8, s20;
	s26 =	rddreg [dreg:$0xa];
	[sflag:s17] =	ssyncadd.s32 $0xFFFFF9C0  }
0xb1: {  	[hbm4b:s29+s3] =	stream.linear.scatter [tilespmem:s26], [sflag:$0xF], $0x640, $0x38;
	[tilespmem:$0xA200] =	vst v63  }
0xb2: {  	_ =	swait.ge [sflag:s18], $0x640  }
0xb3: {  	[sflag:s18] =	ssyncset.done $0x0  }
0xb4: {  	s1 =	simm.s32 @p0 $0x9;
	s0 =	sadd.s32 s2, s0;
	[sflag:s18] =	ssyncadd.s32 $0xFFFFF9C0  }
0xb5: {  	[hbm4b:s0+s3] =	stream.linear.scatter [tilespmem:s10], [sflag:$0x10], $0x640, $0x38;
	[tilespmem:$0xA200] =	vst v63  }
0xb6: {  	_ =	swait.ge @p0 [sflag:s1], $0x640  }
0xb7: {  	s6 =	simm.s32 @p0 $0x7000;
	[sflag:s1] =	ssyncset.done @p0 $0x0  }
0xb8: {  	s0 =	simm.s32 @p0 $0x32;
	[sflag:s1] =	ssyncadd.s32 @p0 $0xFFFFF9C0;
	s1 =	simm.s32 @p0 $0xA  }
0xb9: {  	[tilespmem:s6], [sflag:$0x1] =	stream.indirect.gather @p0 [hbm4b:s5+s0], $0x20, s31, s0, $0xb8;
	[tilespmem:$0xA200] =	vst v63  }
0xba: {  	_ =	swait.ge @p0 [sflag:s1], $0x640  }
0xbb: {  	s7 =	simm.s32 @p0 $0x7640;
	[sflag:s1] =	ssyncset.done @p0 $0x0  }
0xbc: {  	s6 =	sadd.s32 @p0 $0x38, s31;
	[sflag:s1] =	ssyncadd.s32 @p0 $0xFFFFF9C0;
	s1 =	simm.s32 @p0 $0xB  }
0xbd: {  	[tilespmem:s7], [sflag:$0x2] =	stream.indirect.gather @p0 [hbm4b:s5+s0], $0x20, s6, s0, $0xb8;
	[tilespmem:$0xA200] =	vst v63  }
0xbe: {  	_ =	swait.ge @p0 [sflag:s1], $0x640  }
0xbf: {  	s6 =	sadd.s32 @p0 $0x70, s31;
	[sflag:s1] =	ssyncset.done @p0 $0x0  }
0xc0: {  	s7 =	simm.s32 @p0 $0x7C80;
	[sflag:s1] =	ssyncadd.s32 @p0 $0xFFFFF9C0;
	s1 =	simm.s32 @p0 $0xC  }
0xc1: {  	[tilespmem:s7], [sflag:$0x3] =	stream.indirect.gather @p0 [hbm4b:s5+s0], $0x20, s6, s0, $0xb8;
	[tilespmem:$0xA200] =	vst v63  }
0xc2: {  	_ =	swait.ge @p0 [sflag:s1], $0x640  }
0xc3: {  	s6 =	sadd.s32 @p0 $0xA8, s31;
	[sflag:s1] =	ssyncset.done @p0 $0x0  }
0xc4: {  	s7 =	simm.s32 @p0 $0x82C0;
	[sflag:s1] =	ssyncadd.s32 @p0 $0xFFFFF9C0;
	s1 =	simm.s32 @p0 $0xD  }
0xc5: {  	[tilespmem:s7], [sflag:$0x4] =	stream.indirect.gather @p0 [hbm4b:s5+s0], $0x20, s6, s0, $0xb8;
	[tilespmem:$0xA200] =	vst v63  }
0xc6: {  	_ =	swait.ge @p0 [sflag:s1], $0x640  }
0xc7: {  	s6 =	sadd.s32 @p0 $0xE0, s31;
	[sflag:s1] =	ssyncset.done @p0 $0x0  }
0xc8: {  	s7 =	simm.s32 @p0 $0x8900;
	[sflag:s1] =	ssyncadd.s32 @p0 $0xFFFFF9C0;
	s1 =	simm.s32 @p0 $0xE  }
0xc9: {  	[tilespmem:s7], [sflag:$0x5] =	stream.indirect.gather @p0 [hbm4b:s5+s0], $0x20, s6, s0, $0xb8;
	[tilespmem:$0xA200] =	vst v63  }
0xca: {  	_ =	swait.ge @p0 [sflag:s1], $0x640  }
0xcb: {  	s6 =	sadd.s32 @p0 $0x118, s31;
	[sflag:s1] =	ssyncset.done @p0 $0x0  }
0xcc: {  	s7 =	simm.s32 @p0 $0x8F40;
	[sflag:s1] =	ssyncadd.s32 @p0 $0xFFFFF9C0;
	s1 =	simm.s32 @p0 $0xF  }
0xcd: {  	[tilespmem:s7], [sflag:$0x6] =	stream.indirect.gather @p0 [hbm4b:s5+s0], $0x20, s6, s0, $0xb8;
	[tilespmem:$0xA200] =	vst v63  }
0xce: {  	_ =	swait.ge @p0 [sflag:s1], $0x640  }
0xcf: {  	s6 =	sadd.s32 @p0 $0x150, s31;
	[sflag:s1] =	ssyncset.done @p0 $0x0  }
0xd0: {  	s7 =	simm.s32 @p0 $0x9580;
	[sflag:s1] =	ssyncadd.s32 @p0 $0xFFFFF9C0;
	s1 =	simm.s32 @p0 $0x10  }
0xd1: {  	[tilespmem:s7], [sflag:$0x7] =	stream.indirect.gather @p0 [hbm4b:s5+s0], $0x20, s6, s0, $0xb8;
	[tilespmem:$0xA200] =	vst v63  }
0xd2: {  	_ =	swait.ge @p0 [sflag:s1], $0x640  }
0xd3: {  	s6 =	simm.s32 @!p0 $0x32;
	[sflag:s1] =	ssyncset.done @p0 $0x0  }
0xd4: {  	s0 =	simm.s32 @!p0 $0x0;
	[sflag:s1] =	ssyncadd.s32 @p0 $0xFFFFF9C0;
	s1 =	simm.s32 @!p0 $0x7000  }
0xd5: {  	[tilespmem:s1], [sflag:$0x1] =	stream.indirect.gather @!p0 [hbm4b:s5+s6], $0x20, s0, s6, $0xb8;
	[tilespmem:$0xA200] =	vst v63  }
0xd6: {  	s0 =	simm.s32 @!p0 $0x38;
	s1 =	simm.s32 @!p0 $0x7640  }
0xd7: {  	[tilespmem:s1], [sflag:$0x2] =	stream.indirect.gather @!p0 [hbm4b:s5+s6], $0x20, s0, s6, $0xb8;
	[tilespmem:$0xA200] =	vst v63  }
0xd8: {  	s0 =	simm.s32 @!p0 $0x70;
	s1 =	simm.s32 @!p0 $0x7C80  }
0xd9: {  	[tilespmem:s1], [sflag:$0x3] =	stream.indirect.gather @!p0 [hbm4b:s5+s6], $0x20, s0, s6, $0xb8;
	[tilespmem:$0xA200] =	vst v63  }
0xda: {  	s0 =	simm.s32 @!p0 $0xA8;
	s1 =	simm.s32 @!p0 $0x82C0  }
0xdb: {  	[tilespmem:s1], [sflag:$0x4] =	stream.indirect.gather @!p0 [hbm4b:s5+s6], $0x20, s0, s6, $0xb8;
	[tilespmem:$0xA200] =	vst v63  }
0xdc: {  	s9 =	simm.s32 @!p0 $0x8900;
	s7 =	simm.s32 @!p0 $0xE0;
	s0 =	smov.u32 s25  }
0xdd: {  	[tilespmem:s9], [sflag:$0x5] =	stream.indirect.gather @!p0 [hbm4b:s5+s6], $0x20, s7, s6, $0xb8;
	[tilespmem:$0xA200] =	vst v63  }
0xde: {  	s0 =	simm.s32 @!p0 $0x7;
	s7 =	simm.s32 @!p0 $0x8F40;
	s9 =	simm.s32 @!p0 $0x118  }
0xdf: {  	[tilespmem:s7], [sflag:$0x6] =	stream.indirect.gather @!p0 [hbm4b:s5+s6], $0x20, s9, s6, $0xb8;
	[tilespmem:$0xA200] =	vst v63  }
0xe0: {  	s1 =	simm.s32 @!p0 $0x150;
	s19 =	smul.u32 $0xE0, s0;
	s9 =	simm.s32 @!p0 $0x9580  }
0xe1: {  	[tilespmem:s9], [sflag:$0x7] =	stream.indirect.gather @!p0 [hbm4b:s5+s6], $0x20, s1, s6, $0xb8;
	[tilespmem:$0xA200] =	vst v63  }
0xe2: {  	s24 =	rddreg [dreg:$0x3];
	s26 =	sshra.s32 s19, $0x2  }
0xe3: {  	[tilespmem:s10], [sflag:$0x8] =	stream.indirect.gather [hbm4b:s5+s24], $0x20, s26, s24, $0xb8;
	[tilespmem:$0xA200] =	vst v63  }
0xe4: {  	s1 =	sadd.s32 @p0 $0xFFFFFFFA, s25;
	_ =	swait.ge [sflag:s11], $0x640  }
0xe5: {  	s1 =	simm.s32 @!p0 $0x1;
	[sflag:s11] =	ssyncset.done $0x0  }
0xe6: {  	s1 =	sadd.s32 s4, s1;
	s29 =	rddreg [dreg:$0x4];
	[sflag:s11] =	ssyncadd.s32 $0xFFFFF9C0  }
0xe7: {  	[hbm4b:s30+s3] =	stream.linear.scatter [tilespmem:s29], [sflag:$0x9], $0x640, $0x38;
	[tilespmem:$0xA200] =	vst v63  }
0xe8: {  	s1 =	smul.u32 $0xC8, s1;
	_ =	swait.ge [sflag:s12], $0x640  }
0xe9: {  	[sflag:s12] =	ssyncset.done $0x0  }
0xea: {  	s1 =	sadd.s32 s2, s1;
	s30 =	rddreg [dreg:$0x5];
	[sflag:s12] =	ssyncadd.s32 $0xFFFFF9C0  }
0xeb: {  	[hbm4b:s1+s3] =	stream.linear.scatter [tilespmem:s30], [sflag:$0xA], $0x640, $0x38;
	[tilespmem:$0xA200] =	vst v63  }
0xec: {  	s1 =	sadd.s32 @p0 $0xFFFFFFFB, s25  }
0xed: {  	s1 =	simm.s32 @!p0 $0x2  }
0xee: {  	s1 =	sadd.s32 s4, s1  }
0xef: {  	_ =	swait.ge [sflag:s13], $0x640;
	s1 =	smul.u32 $0xC8, s1  }
0xf0: {  	[sflag:s13] =	ssyncset.done $0x0  }
0xf1: {  	s31 =	rddreg [dreg:$0x6];
	[sflag:s13] =	ssyncadd.s32 $0xFFFFF9C0;
	s1 =	sadd.s32 s2, s1  }
0xf2: {  	[hbm4b:s1+s3] =	stream.linear.scatter [tilespmem:s31], [sflag:$0xB], $0x640, $0x38;
	[tilespmem:$0xA200] =	vst v63  }
0xf3: {  	s1 =	sadd.s32 @p0 $0xFFFFFFFC, s25  }
0xf4: {  	s1 =	simm.s32 @!p0 $0x3  }
0xf5: {  	s1 =	sadd.s32 s4, s1  }
0xf6: {  	_ =	swait.ge [sflag:s14], $0x640;
	s1 =	smul.u32 $0xC8, s1  }
0xf7: {  	[sflag:s14] =	ssyncset.done $0x0  }
0xf8: {  	s7 =	rddreg [dreg:$0x7];
	[sflag:s14] =	ssyncadd.s32 $0xFFFFF9C0;
	s1 =	sadd.s32 s2, s1  }
0xf9: {  	[hbm4b:s1+s3] =	stream.linear.scatter [tilespmem:s7], [sflag:$0xC], $0x640, $0x38;
	[tilespmem:$0xA200] =	vst v63  }
0xfa: {  	s1 =	sadd.s32 @p0 $0xFFFFFFFD, s25  }
0xfb: {  	s1 =	simm.s32 @!p0 $0x4  }
0xfc: {  	s1 =	sadd.s32 s4, s1  }
0xfd: {  	_ =	swait.ge [sflag:s15], $0x640;
	s1 =	smul.u32 $0xC8, s1  }
0xfe: {  	[sflag:s15] =	ssyncset.done $0x0  }
0xff: {  	s9 =	rddreg [dreg:$0x8];
	[sflag:s15] =	ssyncadd.s32 $0xFFFFF9C0;
	s1 =	sadd.s32 s2, s1  }
0x100: {  	[hbm4b:s1+s3] =	stream.linear.scatter [tilespmem:s9], [sflag:$0xD], $0x640, $0x38;
	[tilespmem:$0xA200] =	vst v63  }
0x101: {  	s1 =	sadd.s32 @p0 $0xFFFFFFFE, s25  }
0x102: {  	s1 =	simm.s32 @!p0 $0x5  }
0x103: {  	s1 =	sadd.s32 s4, s1  }
0x104: {  	_ =	swait.ge [sflag:s16], $0x640;
	s1 =	smul.u32 $0xC8, s1  }
0x105: {  	[sflag:s16] =	ssyncset.done $0x0  }
0x106: {  	s19 =	rddreg [dreg:$0x9];
	[sflag:s16] =	ssyncadd.s32 $0xFFFFF9C0;
	s1 =	sadd.s32 s2, s1  }
0x107: {  	[hbm4b:s1+s3] =	stream.linear.scatter [tilespmem:s19], [sflag:$0xE], $0x640, $0x38;
	[tilespmem:$0xA200] =	vst v63  }
0x108: {  	s1 =	sadd.s32 @p0 $0xFFFFFFFF, s25  }
0x109: {  	s1 =	simm.s32 @!p0 $0x6  }
0x10a: {  	s1 =	sadd.s32 s4, s1  }
0x10b: {  	_ =	swait.ge [sflag:s17], $0x640;
	s1 =	smul.u32 $0xC8, s1  }
0x10c: {  	s0 =	sadd.s32 s4, s0;
	[sflag:s17] =	ssyncset.done $0x0  }
0x10d: {  	s20 =	rddreg [dreg:$0xa];
	[sflag:s17] =	ssyncadd.s32 $0xFFFFF9C0;
	s1 =	sadd.s32 s2, s1  }
0x10e: {  	[hbm4b:s1+s3] =	stream.linear.scatter [tilespmem:s20], [sflag:$0xF], $0x640, $0x38;
	[tilespmem:$0xA200] =	vst v63  }
0x10f: {  	s0 =	smul.u32 $0xC8, s0;
	_ =	swait.ge [sflag:s18], $0x640  }
0x110: {  	[sflag:s18] =	ssyncset.done $0x0  }
0x111: {  	s21 =	simm.s32 $0x9;
	s0 =	sadd.s32 s2, s0;
	[sflag:s18] =	ssyncadd.s32 $0xFFFFF9C0  }
0x112: {  	[hbm4b:s0+s3] =	stream.linear.scatter [tilespmem:s10], [sflag:$0x10], $0x640, $0x38;
	[tilespmem:$0xA200] =	vst v63  }
0x113: {  	_ =	swait.ge [sflag:s21], $0x640  }
0x114: {  	[sflag:s21] =	ssyncset.done $0x0  }
0x115: {  	s22 =	simm.s32 $0xA;
	[sflag:s21] =	ssyncadd.s32 $0xFFFFF9C0  }
0x116: {  	_ =	swait.ge [sflag:s22], $0x640  }
0x117: {  	[sflag:s22] =	ssyncset.done $0x0  }
0x118: {  	s23 =	simm.s32 $0xB;
	[sflag:s22] =	ssyncadd.s32 $0xFFFFF9C0  }
0x119: {  	_ =	swait.ge [sflag:s23], $0x640  }
0x11a: {  	[sflag:s23] =	ssyncset.done $0x0  }
0x11b: {  	s24 =	simm.s32 $0xC;
	[sflag:s23] =	ssyncadd.s32 $0xFFFFF9C0  }
0x11c: {  	_ =	swait.ge [sflag:s24], $0x640  }
0x11d: {  	[sflag:s24] =	ssyncset.done $0x0  }
0x11e: {  	s25 =	simm.s32 $0xD;
	[sflag:s24] =	ssyncadd.s32 $0xFFFFF9C0  }
0x11f: {  	_ =	swait.ge [sflag:s25], $0x640  }
0x120: {  	[sflag:s25] =	ssyncset.done $0x0  }
0x121: {  	s26 =	simm.s32 $0xE;
	[sflag:s25] =	ssyncadd.s32 $0xFFFFF9C0  }
0x122: {  	_ =	swait.ge [sflag:s26], $0x640  }
0x123: {  	[sflag:s26] =	ssyncset.done $0x0  }
0x124: {  	s29 =	simm.s32 $0xF;
	[sflag:s26] =	ssyncadd.s32 $0xFFFFF9C0  }
0x125: {  	_ =	swait.ge [sflag:s29], $0x640  }
0x126: {  	[sflag:s29] =	ssyncset.done $0x0  }
0x127: {  	s30 =	simm.s32 $0x10;
	[sflag:s29] =	ssyncadd.s32 $0xFFFFF9C0  }
0x128: {  	_ =	swait.ge [sflag:s30], $0x640  }
0x129: {  	s28 =	sadd.s32 $0x1, s28;
	s31 =	rddreg [dreg:$0xc]  }
0x12a: {  	p0 =	sne.s32 s28, s31  }
.Ltmp1:
0x12b: {  	_ = 	snop;
	(pc) =	sbr.rel @p0 .LBB2_1-.Ltmp1, $3  }
0x12c: {  	_ =	sdelay $0x1  }
0x12d: {  	[sflag:s30] =	ssyncset.done $0x0  }
0x12e: {  	[sflag:s30] =	ssyncadd.s32 $0xFFFFF9C0  }
0x12f: {  	_ =	sfence.sel $0x180000  }
0x130: {  	[bflag:$0x0] =	sbarrier.arrive $0xFFFF  }
0x131: {  	_ =	strace $0x90000047  }
0x132: {  	s0 =	stileid.u32;
	[bflag:$0x2] =	sbarrier.arrive $0xFFFF  }
0x133: {  	p0 =	sne.s32 s0, $0x0;
	s0 =	rddreg [dreg:$0x2]  }
0x134: {  	s0 =	sadd.s32 @!p0 $0x100000, s0  }
0x135: {  	[sflag:s0] =	ssyncadd.tile.s32 @!p0 $0x1;
	_ =	shalt  }
.Lfunc_end2:
_tile_overlayer_lowered:
.L_overlay_start_2:
0x136: {  	(tag) =	ssettag $0x2  }
0x137: {  	s0 =	rddreg [dreg:$0x0];
	s2 =	stileid.u32  }
0x138: {  	s1 =	rddreg [dreg:$0x1];
	p0 =	sne.s32 s2, $0x0  }
0x139: {  	s3 =	rddreg [dreg:$0x2];
	[bflag:$0x3] =	sbarrier.arrive $0xFFFF;
	s2 =	simm.s32 @!p0 $0x1C11  }
0x13a: {  	[timem:s3], [sflag:s2] =	dma.local @!p0 [hbm:s0], s1  }
0x13b: {  	s0 =	simm.s32 @!p0 $0x11  }
0x13c: {  	_ =	swait.ge @!p0 [sflag:s0], s1  }
0x13d: {  	s1 =	ssub.s32 @!p0 $0x0, s1;
	[sflag:s0] =	ssyncset.done @!p0 $0x0  }
0x13e: {  	[sflag:s0] =	ssyncadd.s32 @!p0 s1  }
0x13f: {  	[bflag:$0x3] =	sbarrier.arrive $0xFFFF  }
0x140: {  	_ =	shalt  }

// kernel: sparse-core-data-format-call.cloned.1.call-start
scs
called_computation_lowered:
.L_overlay_start_0:
0x0: {  	s2 =	sld [smem:$0x3FD9]  }
0x1: {  	s3 =	sld [smem:$0x3FFE];
	_ =	sdelay $0x1  }
0x2: {  	s1 =	srdreg.scid  }
0x3: {  	s0 =	sand.u32 $0x1, s1  }
0x4: {  	s18 =	sshll.u32 s0, $0xA;
	s2 =	sadd.s32 s3, s2  }
0x5: {  	s2 =	sadd.s32 s2, s18  }
0x6: {  	[smem:$0x3FC6] =	sst s2  }
0x7: {  	_ = 	snop  }
0x8: {  	s2 =	sld [smem:$0x3FD0];
	(tm) =	ssettm $0x1  }
0x9: {  	s19 =	sld [smem:$0x3FFB];
	_ =	sdelay $0x3  }
0xa: {  	_ =	strace s19  }
0xb: {  	s3 =	sld [smem:$0x3FFC];
	_ =	sdelay $0x3  }
0xc: {  	_ =	strace s3  }
0xd: {  	s3 =	sld [smem:$0x3FFD];
	_ =	sdelay $0x3  }
0xe: {  	_ =	strace s3  }
0xf: {  	_ =	strace $0x8FFFFFFF  }
0x10: {  	s20 =	sld [smem:$0x3FDB];
	_ =	sdelay $0x1  }
0x11: {  	s4 =	simm.s32 $_scs_section_size  }
0x12: {  	s5 =	simm.s32 $_size__tile_overlayer_lowered;
	s6 =	simm.s32 $_tile_overlayer_lowered  }
0x13: {  	s23 =	simm.s32 $0x1BFF;
	s22 =	sshll.u32 s6, $0x1;
	s3 =	sadd.s32 s4, s20  }
0x14: {  	s7 =	simm.s32 $0x0;
	s21 =	sshll.u32 s5, $0x1;
	s5 =	sadd.s32 s22, s3  }
0x15: {  	[timem:s7], [sflag:s23] =	dma.local [hbm:s5], s21  }
0x16: {  	_ =	swait.ge [sflag:s23], s21  }
0x17: {  	s4 =	ssub.s32 $0x0, s21;
	[sflag:s23] =	ssyncset.done $0x0  }
0x18: {  	[sflag:s23] =	ssyncadd.s32 s4;
	_ =	sdelay $0x1  }
0x19: {  	s24 =	simm.s32 $0x1B8B  }
0x1a: {  	_ =	swait.ge [sflag:s24], $0x1  }
0x1b: {  	[sflag:s24] =	ssyncset.done $0x0  }
0x1c: {  	s26 =	simm.s32 $0x1B8E;
	s25 =	sld [smem:$0x3FFE];
	[sflag:s24] =	ssyncadd.s32 $0xFFFFFFFF  }
0x1d: {  	s27 =	simm.s32 $execute0_lowered;
	[smem:$0x3FD2] =	sst s26  }
0x1e: {  	s5 =	sshll.u32 s27, $0x1;
	_ =	strace $0x80000049;
	[dreg:$0x1] =	wrdreg $0xFFFFFFFF  }
0x1f: {  	s28 =	simm.s32 $_size_execute0_lowered;
	s3 =	sadd.s32 s3, s5;
	[dreg:$0x0] =	wrdreg $0x0  }
0x20: {  	s5 =	sshll.u32 s28, $0x1;
	[dreg:$0x2] =	wrdreg s3  }
0x21: {  	[dreg:$0x3] =	wrdreg s5  }
0x22: {  	[dreg:$0x4] =	wrdreg $0xC0  }
0x23: {  	_ =	task [dreg:s7], $0x5FFFF  }
0x24: {  	[dreg:$0x1] =	wrdreg $0xFFFFFFFF  }
0x25: {  	[dreg:$0x0] =	wrdreg $0x60  }
0x26: {  	[dreg:$0x2] =	wrdreg s25  }
0x27: {  	[dreg:$0x3] =	wrdreg s2  }
0x28: {  	[dreg:$0x4] =	wrdreg $0x9  }
0x29: {  	_ =	task.clear_ibuf [dreg:s7], $0x5FFFF;
	_ =	strace $0x90000049  }
0x2a: {  	s29 =	simm.s32 $0x9;
	_ =	strace $0x8000004B  }
0x2b: {  	_ =	swait.ge [sflag:s29], $0x1  }
0x2c: {  	[sflag:s29] =	ssyncadd.s32 $0xFFFFFFFF  }
0x2d: {  	_ =	strace $0x9000004B  }
0x2e: {  	_ =	sfence  }
0x2f: {  	s30 =	sld [smem:$0x0];
	_ =	sdelay $0x2  }
0x30: {  	s31 =	sshll.u32 s1, $0xD;
	s1 =	sshrl.u32 s1, $0x2  }
0x31: {  	s3 =	sand.u32 $0x4000, s31;
	s1 =	sadd.s32 s1, s30  }
0x32: {  	s0 =	sor.u32 s3, s0;
	s1 =	sshll.u32 s1, $0x11  }
0x33: {  	s0 =	sor.u32 s1, s0  }
0x34: {  	s0 =	sadd.s32 $0x8F2B, s0  }
0x35: {  	[sflag:s0] =	ssyncadd.remote.s32 $0x1  }
0x36: {  	_ =	sfence.sel $0xFFFF  }
0x37: {  	[dreg:$0x0] =	wrdreg $0xFFFFFFFF;
	(pc) =	sbr.abs _section_cstart, $3  }
0x38: {  	[dreg:$0x1] =	wrdreg $0xFFFFFFFF  }
0x39: {  	_ =	task.clear_ibuf [dreg:s7], $0x2FFFF;
	_ =	strace $0x9FFFFFFF  }
0x3a: {  	(tm) =	ssettm $0x7FFFFFFF  }
0x3b: {  	_ =	shalt  }
tec
execute0_lowered:
.L_overlay_start_1:
0x0: {  	(tag) =	ssettag $0x1  }
0x1: {  	s0 =	srdreg.scid  }
0x2: {  	s1 =	sshll.u32 s0, $0x4  }
0x3: {  	s0 =	stileid.u32;
	s1 =	sand.u32 $0x10, s1  }
0x4: {  	s1 =	sor.u32 s0, s1  }
0x5: {  	s6 =	rddreg [dreg:$0x0];
	s4 =	simm.s32 $0x1;
	s2 =	sshll.u32 s1, $0x7  }
0x6: {  	s7 =	simm.s32 $0x2;
	s12 =	simm.s32 $0x0;
	s1 =	ssub.s32 $0x4000, s2  }
0x7: {  	s8 =	simm.s32 $0x20000;
	s13 =	simm.s32 $0x0;
	s3 =	sand.u32 $0xF80, s1  }
0x8: {  	s9 =	simm.s32 $0x0;
	s5 =	sshrl.u32 s1, $0xC;
	p0 =	sne.s32 s3, $0x0  }
.Ltmp0:
0x9: {  	s1 =	rddreg [dreg:$0x2];
	s4 =	simm.s32 @!p0 $0x0;
	(pc) =	sbr.rel .LBB1_1-.Ltmp0, $4  }
0xa: {  	s11 =	simm.s32 $0x0;
	s3 =	rddreg [dreg:$0x1];
	s5 =	sadd.s32 s4, s5  }
0xb: {  	_ =	strace $0x8000004A;
	s4 =	simm.s32 $0x1;
	s5 =	smul.u32 $0x32, s5  }
0xc: {  	s6 =	sadd.s32 $0xA00, s6;
	s10 =	smov.u32 s2;
	[sflag:s4] =	ssyncpa.u1 $0x0  }
0xd: {  	p0 =	por $0x0, $0x0;
	[sflag:s7] =	ssyncpa.u1 $0x0;
	s7 =	sor.u32 $0x1, s5  }
.LBB1_4:
0xe: {  	s16 =	sshll.u32 s13, $0x3;
	s17 =	sand.u32 $0x78, s13  }
0xf: {  	s30 =	sand.u32 $0xF800, s13;
	s12 =	sshll.u32 s12, $0x10;
	s16 =	sand.u32 $0x3C00, s16  }
0x10: {  	s31 =	sand.u32 $0x7, s13;
	s16 =	sor.u32 s17, s16;
	s17 =	sadd.s32 s3, s30  }
0x11: {  	s13 =	sshll.u32 s31, $0x12;
	s16 =	sshrl.u32 s16, $0x3;
	s12 =	sadd.s32 s12, s17  }
0x12: {  	[tilespmem:s15+$0x0 ss:$0x81] =	vst.msk $0xffff, v0;
	s13 =	sor.u32 $0x400, s13;
	s12 =	sadd.s32 s16, s12  }
0x13: {  	[hbm4b:s12+s13] =	stream.strided.scatter [tilespmem:s14], [sflag:$0x2], $0x1000, s8, s13, $0x20;
	[tilespmem:$0x4040] =	vst v63  }
.LBB1_5:
0x14: {  	s14 =	sadd.s32 $0x1, s9  }
0x15: {  	s12 =	sadd.s32 $0x1000, s10;
	s16 =	smov.u32 s10;
	p2 =	sgt.s32 s14, $0x31  }
0x16: {  	s16 =	smov.u32 @p2 s12  }
0x17: {  	s14 =	simm.s32 @p2 $0x0;
	p2 =	sgt.s32 s16, $0x3FFF  }
0x18: {  	s16 =	smov.u32 @p2 s2;
	p2 =	sne.s32 s11, s7  }
.Ltmp1:
0x19: {  	p1 =	slt.u32 s11, $0x2;
	(pc) =	sbr.rel @!p2 .LBB1_6-.Ltmp1, $4  }
0x1a: {  	s15 =	simm.s32 @!p1 $0x2  }
0x1b: {  	s13 =	smov.u32 s10;
	p0 =	por !p0, !p0;
	_ =	swait.ge @!p1 [sflag:s15], $0x1000  }
0x1c: {  	s12 =	smov.u32 s9;
	[sflag:s15] =	ssyncset.done @!p1 $0x0;
	s9 =	smov.u32 s14  }
0x1d: {  	s11 =	sadd.s32 $0x1, s11;
	[sflag:s15] =	ssyncadd.s32 @!p1 $0xFFFFF000;
	s10 =	smov.u32 s16  }
.LBB1_1:
0x1e: {  	p1 =	sge.u32 s11, s5  }
0x1f: {  	s14 =	sand.u32 @!p1 $0x1FFFFFF, s9  }
0x20: {  	s15 =	smulhi.u32 @!p1 $0x4924925, s14;
	_ =	sdelay $0x1  }
0x21: {  	s15 =	smul.u32 @!p1 $0x38, s15  }
0x22: {  	s16 =	sxor.u32 @!p1 $0xFFFFFFFF, s11;
	s17 =	smul.u32 @!p1 $0x380, s10  }
0x23: {  	s31 =	sadd.s32 $0xFFFFFFFF, s11;
	s16 =	sshll.u32 @!p1 s16, $0xC;
	s14 =	ssub.s32 @!p1 s14, s15  }
0x24: {  	s15 =	sand.u32 @!p1 $0x1000, s16;
	s16 =	sadd.s32 @!p1 s6, s17;
	s14 =	sshll.u32 @!p1 s14, $0x4  }
0x25: {  	s17 =	simm.s32 @!p1 $0x1C00;
	s14 =	sadd.s32 @!p1 s14, s16;
	s16 =	simm.s32 @!p1 $0x20  }
0x26: {  	[tilespmem:s15], [sflag:$0x1] =	stream.strided.gather @!p1 [hbm4b:s14+s16], $0x1000, s17, s16, $0x38;
	[tilespmem:$0x4040] =	vst v63  }
0x27: {  	p1 =	sge.u32 s31, s5  }
.Ltmp2:
0x28: {  	_ = 	snop;
	(pc) =	sbr.rel @p1 .LBB1_5-.Ltmp2, $1  }
0x29: {  	_ =	sdelay $0x3  }
0x2a: {  	s14 =	simm.s32 $0x1  }
0x2b: {  	_ =	swait.ge [sflag:s4], $0x1000;
	s14 =	simm.s32 @!p0 $0x0  }
0x2c: {  	[sflag:s4] =	ssyncset.done $0x0;
	s15 =	sshll.u32 s14, $0xC  }
0x2d: {  	[sflag:s4] =	ssyncadd.s32 $0xFFFFF000;
	s18 =	sor.u32 $0x10, s15  }
0x2e: {  	s14 =	smul.u32 $0x4080, s14;
	v1 =	vld [tilespmem:s18+$0x0]  }
0x2f: {  	s30 =	sand.u32 $0x1, s11;
	v0 =	vld [tilespmem:s18+$0xFFFFFFF0]  }
0x30: {  	s15 =	smul.u32 $0x4080, s30;
	s14 =	sshrl.u32 s14, $0x2  }
0x31: {  	s16 =	sor.u32 $0x2000, s14  }
0x32: {  	s31 =	sshrl.u32 s15, $0x2;
	s15 =	sadd.s32 $0x0, s16  }
0x33: {  	s17 =	simm.s32 $0x4;
	s18 =	sadd.s32 $0x20, s18;
	s14 =	sor.u32 $0x2000, s31;
	[tilespmem:s15+$0x810 ss:$0x81] =	vst.msk $0xffff, v1  }
.LBB1_3:
0x34: {  	v1 =	vld [tilespmem:s18+$0x0];
	p1 =	sne.s32 s17, $0x1FC;
	[tilespmem:s15+$0x0 ss:$0x81] =	vst.msk $0xffff, v0;
	s15 =	smov.u32 s17;
	s17 =	sadd.s32 $0x4, s17  }
.Ltmp3:
0x35: {  	v0 =	vld [tilespmem:s18+$0xFFFFFFF0];
	(pc) =	sbr.rel @p1 .LBB1_3-.Ltmp3, $4  }
0x36: {  	_ = 	snop  }
0x37: {  	s15 =	sshra.s32 s15, $0x2  }
0x38: {  	s15 =	sadd.s32 s15, s16  }
0x39: {  	s18 =	sadd.s32 $0x20, s18;
	[tilespmem:s15+$0x810 ss:$0x81] =	vst.msk $0xffff, v1  }
.Ltmp4:
0x3a: {  	_ = 	snop;
	(pc) =	sbr.rel .LBB1_4-.Ltmp4, $1  }
0x3b: {  	_ =	sdelay $0x3  }
.LBB1_6:
0x3c: {  	_ =	sfence.sel $0x180000  }
0x3d: {  	s2 =	simm.s32 $0x1;
	[bflag:$0x0] =	sbarrier.arrive $0xFFFF  }
0x3e: {  	s31 =	simm.s32 $0x2;
	[sflag:s2] =	ssyncpa.u1 $0x1  }
0x3f: {  	[sflag:s31] =	ssyncpa.u1 $0x1  }
0x40: {  	p0 =	sne.s32 s0, $0x0;
	_ =	strace $0x9000004A  }
0x41: {  	s0 =	sadd.s32 @!p0 $0x100000, s1;
	[bflag:$0x2] =	sbarrier.arrive $0xFFFF  }
0x42: {  	[sflag:s0] =	ssyncadd.tile.s32 @!p0 $0x1;
	_ =	shalt  }
.Lfunc_end1:
_tile_overlayer_lowered:
.L_overlay_start_2:
0x43: {  	(tag) =	ssettag $0x2  }
0x44: {  	s0 =	rddreg [dreg:$0x0];
	s2 =	stileid.u32  }
0x45: {  	s1 =	rddreg [dreg:$0x1];
	p0 =	sne.s32 s2, $0x0  }
0x46: {  	s3 =	rddreg [dreg:$0x2];
	[bflag:$0x3] =	sbarrier.arrive $0xFFFF;
	s2 =	simm.s32 @!p0 $0x1C01  }
0x47: {  	[timem:s3], [sflag:s2] =	dma.local @!p0 [hbm:s0], s1  }
0x48: {  	s0 =	simm.s32 @!p0 $0x1  }
0x49: {  	_ =	swait.ge @!p0 [sflag:s0], s1  }
0x4a: {  	s1 =	ssub.s32 @!p0 $0x0, s1;
	[sflag:s0] =	ssyncset.done @!p0 $0x0  }
0x4b: {  	[sflag:s0] =	ssyncadd.s32 @!p0 s1  }
0x4c: {  	[bflag:$0x3] =	sbarrier.arrive $0xFFFF  }
0x4d: {  	_ =	shalt  }

</sc_bundles>
